<compile_context>
chip_gen: v7x
topology: tpu7x:2x2x1
jax: 0.10.2.dev20260603
libtpu: 0.0.44.dev20260713+nightly
codegen_flags: <defaults>
</compile_context>

<pallas_src>
import functools

import jax
import jax.numpy as jnp
from jax import lax
from jax.experimental import pallas as pl
from jax.experimental.pallas import tpu as pltpu
from jax.experimental.pallas import tpu_sc as plsc

NSTU = 8192
NTEA = 8192
HALF = NSTU // 2
NCLS = 22
CPAD = 128
SDIM = 64
HDIM = 32
TDIM = 512
TEMP = 2.0


KNN_BS = 1024
KNN_BT = 1024


def _knn_body(q_ref, kt_ref, idx_ref):
    kt = kt_ref[...]
    k2 = jnp.sum(kt * kt, axis=0, keepdims=True)
    row8 = lax.broadcasted_iota(jnp.int32, (8, NTEA), 0)
    kta = jnp.where(row8 == 3, k2, jnp.where(row8 == 4, 1.0, kt))
    qt = jnp.pad(q_ref[...], ((0, 5), (0, 0)))
    q2 = jnp.sum(qt * qt, axis=0, keepdims=True)
    row8b = lax.broadcasted_iota(jnp.int32, (8, KNN_BS), 0)
    qat = jnp.where(row8b == 3, 1.0, jnp.where(row8b == 4, q2, qt * (-2.0)))
    qa = lax.transpose(qat, (1, 0))
    run_key = jnp.full((KNN_BS,), jnp.inf, jnp.float32)
    run_cid = jnp.zeros((KNN_BS,), jnp.int32)
    for c in range(NTEA // KNN_BT):
        s = lax.dot_general(qa, kta[:, c * KNN_BT:(c + 1) * KNN_BT],
                            (((1,), (0,)), ((), ())),
                            preferred_element_type=jnp.float32)
        si = lax.bitcast_convert_type(s, jnp.int32)
        li = lax.broadcasted_iota(jnp.int32, (KNN_BS, KNN_BT), 1)
        key = lax.bitcast_convert_type((si & -KNN_BT) | li, jnp.float32)
        mk = jnp.min(key, axis=1)
        upd = mk < run_key
        run_key = jnp.where(upd, mk, run_key)
        run_cid = jnp.where(upd, c, run_cid)
    local = lax.bitcast_convert_type(run_key, jnp.int32) & (KNN_BT - 1)
    idx_ref[...] = run_cid * KNN_BT + local


def _knn_call(sc, ktp, half):
    base = half * (HALF // KNN_BS)
    return pl.pallas_call(
        _knn_body,
        grid=(HALF // KNN_BS,),
        in_specs=[
            pl.BlockSpec((3, KNN_BS), lambda i: (0, i + base)),
            pl.BlockSpec((8, NTEA), lambda i: (0, 0)),
        ],
        out_specs=pl.BlockSpec((KNN_BS,), lambda i: (i,)),
        out_shape=jax.ShapeDtypeStruct((HALF,), jnp.int32),
    )(sc, ktp)



SC_NW = 32
SC_BPW = HALF // SC_NW
SC_ROWS = 64
SC_NCH = SC_BPW // SC_ROWS


def _gather_call(tlp, tf, idx):
    mesh = plsc.VectorSubcoreMesh(core_axis_name="c", subcore_axis_name="s")

    @functools.partial(
        pl.kernel,
        out_type=[jax.ShapeDtypeStruct((HALF, CPAD), jnp.float32),
                  jax.ShapeDtypeStruct((HALF, TDIM), jnp.float32)],
        mesh=mesh,
        scratch_types=[
            pltpu.VMEM((SC_BPW,), jnp.int32),
            pltpu.VMEM((SC_NCH, SC_ROWS), jnp.int32),
            pltpu.VMEM((SC_BPW, CPAD), jnp.float32),
            pltpu.VMEM((SC_ROWS, TDIM), jnp.float32),
            pltpu.VMEM((SC_ROWS, TDIM), jnp.float32),
            pltpu.SemaphoreType.DMA,
            pltpu.SemaphoreType.DMA,
            pltpu.SemaphoreType.DMA,
        ],
    )
    def gk(tl_hbm, tf_hbm, idx_hbm, out_l, out_f,
           idx_v, idx2, lrows, fbuf0, fbuf1, sem0, sem1, seml):
        wid = lax.axis_index("s") * 2 + lax.axis_index("c")
        base = wid * SC_BPW
        pltpu.sync_copy(idx_hbm.at[pl.ds(base, SC_BPW)], idx_v)
        for c in range(SC_NCH):
            pltpu.sync_copy(idx_hbm.at[pl.ds(base + c * SC_ROWS, SC_ROWS)],
                            idx2.at[c])
        bufs = [fbuf0, fbuf1]
        sems = [sem0, sem1]
        cl = pltpu.async_copy(tl_hbm.at[idx_v], lrows, seml)
        pend = [pltpu.async_copy(tf_hbm.at[idx2.at[0]], bufs[0], sems[0]),
                pltpu.async_copy(tf_hbm.at[idx2.at[1]], bufs[1], sems[1])]
        for c in range(SC_NCH):
            b = c % 2
            pend[b].wait()
            pltpu.sync_copy(bufs[b],
                            out_f.at[pl.ds(base + c * SC_ROWS, SC_ROWS)])
            if c + 2 < SC_NCH:
                pend[b] = pltpu.async_copy(tf_hbm.at[idx2.at[c + 2]],
                                           bufs[b], sems[b])
        cl.wait()
        pltpu.sync_copy(lrows, out_l.at[pl.ds(base, SC_BPW)])

    return gk(tlp, tf, idx)



LOSS_BS = 1024


def _loss_body(is_final, *refs):
    if is_final:
        (seg_ref, ml_ref, sf_ref, mf_ref, w1t_ref, b1_ref, w2t_ref, b2_ref,
         lw_ref, part_ref, out_ref, acc_ref) = refs
    else:
        (seg_ref, ml_ref, sf_ref, mf_ref, w1t_ref, b1_ref, w2t_ref, b2_ref,
         out_ref, acc_ref) = refs
    i = pl.program_id(0)
    nblk = pl.num_programs(0)

    @pl.when(i == 0)
    def _():
        acc_ref[0] = 0.0
        acc_ref[1] = 0.0

    segt = seg_ref[...] * (1.0 / TEMP)
    smax = jnp.max(segt, axis=0, keepdims=True)
    se = jnp.exp(segt - smax)
    ssum = jnp.sum(se, axis=0, keepdims=True)
    slogpt = segt - smax - jnp.log(ssum)
    mlg = ml_ref[:, :NCLS] * (1.0 / TEMP)
    tmax = jnp.max(mlg, axis=1, keepdims=True)
    te = jnp.exp(mlg - tmax)
    tsum = jnp.sum(te, axis=1, keepdims=True)
    tp = te / tsum
    tlogp = mlg - tmax - jnp.log(tsum)
    cc = lax.dot_general(slogpt, tp, (((1,), (0,)), ((), ())),
                         preferred_element_type=jnp.float32)
    diag = (lax.broadcasted_iota(jnp.int32, (NCLS, NCLS), 0)
            == lax.broadcasted_iota(jnp.int32, (NCLS, NCLS), 1))
    kl_blk = jnp.sum(tp * tlogp) - jnp.sum(jnp.where(diag, cc, 0.0))

    ht = lax.dot_general(w1t_ref[...], sf_ref[...], (((1,), (0,)), ((), ())),
                         preferred_element_type=jnp.float32)
    ht = jnp.maximum(ht + b1_ref[...], 0.0)
    h = lax.transpose(ht, (1, 0))
    proj = lax.dot_general(h, w2t_ref[...], (((1,), (1,)), ((), ())),
                           preferred_element_type=jnp.float32)
    proj = proj + b2_ref[...][None, :]
    mf = mf_ref[...]
    pn = jnp.sqrt(jnp.sum(proj * proj, axis=1, keepdims=True))
    sn = proj / jnp.maximum(pn, 1e-12)
    tn2 = jnp.sqrt(jnp.sum(mf * mf, axis=1, keepdims=True))
    tn = mf / jnp.maximum(tn2, 1e-12)
    dd = sn - tn
    ft_blk = jnp.sum(dd * dd)

    kl_tot = acc_ref[0] + kl_blk
    ft_tot = acc_ref[1] + ft_blk
    acc_ref[0] = kl_tot
    acc_ref[1] = ft_tot

    @pl.when(i == nblk - 1)
    def _():
        if is_final:
            kl_all = kl_tot + part_ref[0]
            ft_all = ft_tot + part_ref[1]
            lw = lw_ref[...]
            we = jnp.exp(lw - jnp.max(lw))
            i5 = lax.broadcasted_iota(jnp.int32, (5,), 0)
            w4 = jnp.sum(jnp.where(i5 == 4, we, 0.0)) / jnp.sum(we)
            kl_loss = 0.5 * (kl_all / NSTU) * (TEMP * TEMP)
            ft_loss = ft_all / (NSTU * TDIM)
            out_ref[...] = jnp.full((1, 1), kl_loss + w4 * ft_loss,
                                    jnp.float32)
        else:
            out_ref[0] = kl_tot
            out_ref[1] = ft_tot


def _half_specs(half):
    base = half * (HALF // LOSS_BS)
    return [
        pl.BlockSpec((NCLS, LOSS_BS), lambda i: (0, i + base)),
        pl.BlockSpec((LOSS_BS, CPAD), lambda i: (i, 0)),
        pl.BlockSpec((SDIM, LOSS_BS), lambda i: (0, i + base)),
        pl.BlockSpec((LOSS_BS, TDIM), lambda i: (i, 0)),
        pl.BlockSpec((HDIM, SDIM), lambda i: (0, 0)),
        pl.BlockSpec((HDIM, 1), lambda i: (0, 0)),
        pl.BlockSpec((TDIM, HDIM), lambda i: (0, 0)),
        pl.BlockSpec((TDIM,), lambda i: (0,)),
    ]


def _loss_part_call(seg, ml, sf, mf, w1, b1, w2, b2):
    return pl.pallas_call(
        functools.partial(_loss_body, False),
        grid=(HALF // LOSS_BS,),
        in_specs=_half_specs(0),
        out_specs=pl.BlockSpec(memory_space=pltpu.SMEM),
        out_shape=jax.ShapeDtypeStruct((2,), jnp.float32),
        scratch_shapes=[pltpu.SMEM((2,), jnp.float32)],
    )(seg, ml, sf, mf, w1, b1, w2, b2)


def _loss_final_call(seg, ml, sf, mf, w1, b1, w2, b2, lw, part):
    return pl.pallas_call(
        functools.partial(_loss_body, True),
        grid=(HALF // LOSS_BS,),
        in_specs=_half_specs(1) + [
            pl.BlockSpec((5,), lambda i: (0,)),
            pl.BlockSpec(memory_space=pltpu.SMEM),
        ],
        out_specs=pl.BlockSpec((1, 1), lambda i: (0, 0)),
        out_shape=jax.ShapeDtypeStruct((1, 1), jnp.float32),
        scratch_shapes=[pltpu.SMEM((2,), jnp.float32)],
    )(seg, ml, sf, mf, w1, b1, w2, b2, lw, part)


def kernel(student_coords, teacher_coords, teacher_logits, seg_logits,
           student_feat, teacher_feat, W1, b1, W2, b2, layer_weight_params):
    ktp = jnp.pad(teacher_coords, ((0, 0), (0, 5))).T
    tlp = jnp.pad(teacher_logits, ((0, 0), (0, CPAD - NCLS)))
    sct = student_coords.T
    segt = seg_logits.T
    sft = student_feat.T
    w1t = W1.T
    w2t = W2.T
    b1r = b1.reshape(HDIM, 1)
    idx0 = _knn_call(sct, ktp, 0)
    ml0, mf0 = _gather_call(tlp, teacher_feat, idx0)
    idx1 = _knn_call(sct, ktp, 1)
    ml1, mf1 = _gather_call(tlp, teacher_feat, idx1)
    part = _loss_part_call(segt, ml0, sft, mf0, w1t, b1r, w2t, b2)
    out = _loss_final_call(segt, ml1, sft, mf1, w1t, b1r, w2t, b2,
                           layer_weight_params, part)
    return out[0, 0]

# --- scband reference (transcript-rebuilt; emitter-appended) ---
"""Pipeline reference for scband-matches-layer-distillation-segmentor-v2-84361747628532 (READ-ONLY COPY).

The authoritative reference and input builder live on the scoring server;
editing this copy changes nothing except your own understanding.
"""

import jax, jax.numpy as jnp
import numpy as np

NS = 8192
NT = 8192
NUM_CLASSES = 22
S_DIM = 64
T_DIM = 512
TEMP = 2.0


def setup_inputs(seed: int = 0) -> dict:
    key = jax.random.key(seed)
    ks = jax.random.split(key, 12)
    student_coords = jax.random.uniform(ks[0], (NS, 3), dtype=jnp.float32)
    teacher_coords = jax.random.uniform(ks[1], (NT, 3), dtype=jnp.float32)
    teacher_logits = jax.random.normal(ks[2], (NT, NUM_CLASSES), dtype=jnp.float32)
    seg_logits = jax.random.normal(ks[3], (NS, NUM_CLASSES), dtype=jnp.float32)
    student_feat = jax.random.normal(ks[4], (NS, S_DIM), dtype=jnp.float32)
    teacher_feat = jax.random.normal(ks[5], (NT, T_DIM), dtype=jnp.float32)
    # proj_layers['enc4']: Linear(s_dim, s_dim//2) -> ReLU -> Linear(s_dim//2, t_dim)
    W1 = jax.random.normal(ks[6], (S_DIM, S_DIM // 2), dtype=jnp.float32) * (1.0 / np.sqrt(S_DIM))
    b1 = jnp.zeros((S_DIM // 2,), dtype=jnp.float32)
    W2 = jax.random.normal(ks[7], (S_DIM // 2, T_DIM), dtype=jnp.float32) * (1.0 / np.sqrt(S_DIM // 2))
    b2 = jnp.zeros((T_DIM,), dtype=jnp.float32)
    layer_weight_params = jnp.ones((5,), dtype=jnp.float32)
    return {
        'student_coords': student_coords,
        'teacher_coords': teacher_coords,
        'teacher_logits': teacher_logits,
        'seg_logits': seg_logits,
        'student_feat': student_feat,
        'teacher_feat': teacher_feat,
        'W1': W1, 'b1': b1, 'W2': W2, 'b2': b2,
        'layer_weight_params': layer_weight_params,
    }


def _knn1(queries, keys):
    # 1-NN: for each query (student point) find nearest key (teacher point)
    q2 = jnp.sum(queries * queries, axis=1, keepdims=True)  # [Ns,1]
    k2 = jnp.sum(keys * keys, axis=1)[None, :]              # [1,Nt]
    d2 = q2 - 2.0 * (queries @ keys.T) + k2                 # [Ns,Nt]
    return jnp.argmin(d2, axis=1)


def _normalize(x, axis=-1, eps=1e-12):
    n = jnp.sqrt(jnp.sum(x * x, axis=axis, keepdims=True))
    return x / jnp.maximum(n, eps)


def reference(student_coords, teacher_coords, teacher_logits, seg_logits,
              student_feat, teacher_feat, W1, b1, W2, b2, layer_weight_params):
    # match_teacher_logits_to_student: knn(teacher_coords, student_coords, k=1)
    idx = _knn1(student_coords, teacher_coords)
    matched_teacher_logits = jnp.take(teacher_logits, idx, axis=0)
    # KL div distillation (batchmean) * T^2 * loss_weight(0.5)
    student_logp = jax.nn.log_softmax(seg_logits / TEMP, axis=1)
    teacher_p = jax.nn.softmax(matched_teacher_logits / TEMP, axis=1)
    teacher_logp = jax.nn.log_softmax(matched_teacher_logits / TEMP, axis=1)
    kl = jnp.sum(teacher_p * (teacher_logp - student_logp)) / seg_logits.shape[0]
    kl_loss = 0.5 * kl * (TEMP ** 2)
    # layer distillation: match_teacher_feats_by_knn (k=1 -> mean over 1 neighbor)
    matched_tf = jnp.take(teacher_feat, idx, axis=0)
    h = jnp.maximum(student_feat @ W1 + b1, 0.0)
    proj_sf = h @ W2 + b2
    sn = _normalize(proj_sf, axis=-1)
    tn = _normalize(matched_tf, axis=-1)
    feat_loss = jnp.mean((sn - tn) ** 2) * 1.0
    weights = jax.nn.softmax(layer_weight_params, axis=0)
    total = kl_loss + weights[4] * feat_loss
    return total

if __name__ == "__main__":
    import jax
    _d = setup_inputs()
    print(jax.jit(kernel)(*tuple(_d.values())))

</pallas_src>

<mosaic_0001>
#map = affine_map<(d0, d1) -> (0, 0)>
#map1 = affine_map<(d0, d1) -> (0)>
module attributes {stable_mosaic.version = 14 : i64} {
  func.func @gk(%arg0: i32, %arg1: i32, %arg2: memref<8192x128xf32, #tpu.memory_space<hbm>>, %arg3: memref<8192x512xf32, #tpu.memory_space<hbm>>, %arg4: memref<4096xi32, #tpu.memory_space<hbm>>, %arg5: memref<4096x128xf32, #tpu.memory_space<hbm>>, %arg6: memref<4096x512xf32, #tpu.memory_space<hbm>>, %arg7: memref<128xi32, #tpu.memory_space<vmem>>, %arg8: memref<2x64xi32, #tpu.memory_space<vmem>>, %arg9: memref<128x128xf32, #tpu.memory_space<vmem>>, %arg10: memref<64x512xf32, #tpu.memory_space<vmem>>, %arg11: memref<64x512xf32, #tpu.memory_space<vmem>>, %arg12: memref<!tpu.dma_semaphore, #tpu.memory_space<semaphore_mem>>, %arg13: memref<!tpu.dma_semaphore, #tpu.memory_space<semaphore_mem>>, %arg14: memref<!tpu.dma_semaphore, #tpu.memory_space<semaphore_mem>>) attributes {dimension_semantics = [#tpu.dimension_semantics<core_parallel>, #tpu.dimension_semantics<subcore_parallel>], iteration_bounds = array<i64: 2, 16>, scalar_prefetch = 0 : i64, scratch_operands = 8 : i64, tpu.core_type = #tpu.core_type<sc_vector_subcore>, window_params = [{transform_indices = #map}, {transform_indices = #map}, {transform_indices = #map1}, {transform_indices = #map}, {transform_indices = #map}]} {
    %mul3A = arith.constant 2 : i32
    %mul3A_0 = arith.muli %arg1, %mul3A : i32
    %add3A = arith.addi %mul3A_0, %arg0 : i32
    %mul3A_1 = arith.constant 128 : i32
    %mul3A_2 = arith.muli %add3A, %mul3A_1 : i32
    "tpu.region"() ({
      %run_scoped3A_44 = tpu.sem_alloc : memref<!tpu.dma_semaphore, #tpu.memory_space<semaphore_mem>>
      %dma_start3A_45 = tpu.memref_slice %arg4[%mul3A_2] : memref<4096xi32, #tpu.memory_space<hbm>> -> memref<128xi32, #tpu.memory_space<hbm>>
      %dma_start3A_46 = tpu.memref_slice %arg4[%mul3A_2] : memref<4096xi32, #tpu.memory_space<hbm>> -> memref<128xi32, #tpu.memory_space<hbm>>
      tpu.enqueue_dma source(%dma_start3A_46 : memref<128xi32, #tpu.memory_space<hbm>>) target(%arg7 : memref<128xi32, #tpu.memory_space<vmem>>) target_semaphore(%run_scoped3A_44 : memref<!tpu.dma_semaphore, #tpu.memory_space<semaphore_mem>>)
      %dma_wait3A_47 = tpu.memref_slice %arg4[%mul3A_2] : memref<4096xi32, #tpu.memory_space<hbm>> -> memref<128xi32, #tpu.memory_space<hbm>>
      %dma_wait3A_48 = tpu.memref_slice %arg4[%mul3A_2] : memref<4096xi32, #tpu.memory_space<hbm>> -> memref<128xi32, #tpu.memory_space<hbm>>
      tpu.wait_dma2 semaphore(%run_scoped3A_44 : memref<!tpu.dma_semaphore, #tpu.memory_space<semaphore_mem>>) src(%dma_wait3A_48 : memref<128xi32, #tpu.memory_space<hbm>>) dst(%arg7 : memref<128xi32, #tpu.memory_space<vmem>>)
      tpu.yield
    }) : () -> ()
    %add3A_3 = arith.constant 0 : i32
    %add3A_4 = arith.addi %mul3A_2, %add3A_3 : i32
    %run_scoped3A = arith.constant 0 : i32
    "tpu.region"() ({
      %run_scoped3A_44 = tpu.sem_alloc : memref<!tpu.dma_semaphore, #tpu.memory_space<semaphore_mem>>
      %dma_start3A_45 = arith.constant 0 : i32
      %dma_start3A_46 = tpu.memref_slice %arg8[%run_scoped3A, %dma_start3A_45] : memref<2x64xi32, #tpu.memory_space<vmem>> -> memref<1x64xi32, #tpu.memory_space<vmem>>
      %dma_start3A_47 = tpu.memref_squeeze %dma_start3A_46 : memref<1x64xi32, #tpu.memory_space<vmem>> -> memref<64xi32, #tpu.memory_space<vmem>>
      %dma_start3A_48 = tpu.memref_slice %arg4[%add3A_4] : memref<4096xi32, #tpu.memory_space<hbm>> -> memref<64xi32, #tpu.memory_space<hbm>>
      %dma_start3A_49 = arith.constant 0 : i32
      %dma_start3A_50 = tpu.memref_slice %arg8[%run_scoped3A, %dma_start3A_49] : memref<2x64xi32, #tpu.memory_space<vmem>> -> memref<1x64xi32, #tpu.memory_space<vmem>>
      %dma_start3A_51 = tpu.memref_squeeze %dma_start3A_50 : memref<1x64xi32, #tpu.memory_space<vmem>> -> memref<64xi32, #tpu.memory_space<vmem>>
      %dma_start3A_52 = tpu.memref_slice %arg4[%add3A_4] : memref<4096xi32, #tpu.memory_space<hbm>> -> memref<64xi32, #tpu.memory_space<hbm>>
      tpu.enqueue_dma source(%dma_start3A_52 : memref<64xi32, #tpu.memory_space<hbm>>) target(%dma_start3A_51 : memref<64xi32, #tpu.memory_space<vmem>>) target_semaphore(%run_scoped3A_44 : memref<!tpu.dma_semaphore, #tpu.memory_space<semaphore_mem>>)
      %dma_wait3A_53 = arith.constant 0 : i32
      %dma_wait3A_54 = tpu.memref_slice %arg8[%run_scoped3A, %dma_wait3A_53] : memref<2x64xi32, #tpu.memory_space<vmem>> -> memref<1x64xi32, #tpu.memory_space<vmem>>
      %dma_wait3A_55 = tpu.memref_squeeze %dma_wait3A_54 : memref<1x64xi32, #tpu.memory_space<vmem>> -> memref<64xi32, #tpu.memory_space<vmem>>
      %dma_wait3A_56 = tpu.memref_slice %arg4[%add3A_4] : memref<4096xi32, #tpu.memory_space<hbm>> -> memref<64xi32, #tpu.memory_space<hbm>>
      %dma_wait3A_57 = arith.constant 0 : i32
      %dma_wait3A_58 = tpu.memref_slice %arg8[%run_scoped3A, %dma_wait3A_57] : memref<2x64xi32, #tpu.memory_space<vmem>> -> memref<1x64xi32, #tpu.memory_space<vmem>>
      %dma_wait3A_59 = tpu.memref_squeeze %dma_wait3A_58 : memref<1x64xi32, #tpu.memory_space<vmem>> -> memref<64xi32, #tpu.memory_space<vmem>>
      %dma_wait3A_60 = tpu.memref_slice %arg4[%add3A_4] : memref<4096xi32, #tpu.memory_space<hbm>> -> memref<64xi32, #tpu.memory_space<hbm>>
      tpu.wait_dma2 semaphore(%run_scoped3A_44 : memref<!tpu.dma_semaphore, #tpu.memory_space<semaphore_mem>>) src(%dma_wait3A_60 : memref<64xi32, #tpu.memory_space<hbm>>) dst(%dma_wait3A_59 : memref<64xi32, #tpu.memory_space<vmem>>)
      tpu.yield
    }) : () -> ()
    %add3A_5 = arith.constant 64 : i32
    %add3A_6 = arith.addi %mul3A_2, %add3A_5 : i32
    %run_scoped3A_7 = arith.constant 1 : i32
    "tpu.region"() ({
      %run_scoped3A_44 = tpu.sem_alloc : memref<!tpu.dma_semaphore, #tpu.memory_space<semaphore_mem>>
      %dma_start3A_45 = arith.constant 0 : i32
      %dma_start3A_46 = tpu.memref_slice %arg8[%run_scoped3A_7, %dma_start3A_45] : memref<2x64xi32, #tpu.memory_space<vmem>> -> memref<1x64xi32, #tpu.memory_space<vmem>>
      %dma_start3A_47 = tpu.memref_squeeze %dma_start3A_46 : memref<1x64xi32, #tpu.memory_space<vmem>> -> memref<64xi32, #tpu.memory_space<vmem>>
      %dma_start3A_48 = tpu.memref_slice %arg4[%add3A_6] : memref<4096xi32, #tpu.memory_space<hbm>> -> memref<64xi32, #tpu.memory_space<hbm>>
      %dma_start3A_49 = arith.constant 0 : i32
      %dma_start3A_50 = tpu.memref_slice %arg8[%run_scoped3A_7, %dma_start3A_49] : memref<2x64xi32, #tpu.memory_space<vmem>> -> memref<1x64xi32, #tpu.memory_space<vmem>>
      %dma_start3A_51 = tpu.memref_squeeze %dma_start3A_50 : memref<1x64xi32, #tpu.memory_space<vmem>> -> memref<64xi32, #tpu.memory_space<vmem>>
      %dma_start3A_52 = tpu.memref_slice %arg4[%add3A_6] : memref<4096xi32, #tpu.memory_space<hbm>> -> memref<64xi32, #tpu.memory_space<hbm>>
      tpu.enqueue_dma source(%dma_start3A_52 : memref<64xi32, #tpu.memory_space<hbm>>) target(%dma_start3A_51 : memref<64xi32, #tpu.memory_space<vmem>>) target_semaphore(%run_scoped3A_44 : memref<!tpu.dma_semaphore, #tpu.memory_space<semaphore_mem>>)
      %dma_wait3A_53 = arith.constant 0 : i32
      %dma_wait3A_54 = tpu.memref_slice %arg8[%run_scoped3A_7, %dma_wait3A_53] : memref<2x64xi32, #tpu.memory_space<vmem>> -> memref<1x64xi32, #tpu.memory_space<vmem>>
      %dma_wait3A_55 = tpu.memref_squeeze %dma_wait3A_54 : memref<1x64xi32, #tpu.memory_space<vmem>> -> memref<64xi32, #tpu.memory_space<vmem>>
      %dma_wait3A_56 = tpu.memref_slice %arg4[%add3A_6] : memref<4096xi32, #tpu.memory_space<hbm>> -> memref<64xi32, #tpu.memory_space<hbm>>
      %dma_wait3A_57 = arith.constant 0 : i32
      %dma_wait3A_58 = tpu.memref_slice %arg8[%run_scoped3A_7, %dma_wait3A_57] : memref<2x64xi32, #tpu.memory_space<vmem>> -> memref<1x64xi32, #tpu.memory_space<vmem>>
      %dma_wait3A_59 = tpu.memref_squeeze %dma_wait3A_58 : memref<1x64xi32, #tpu.memory_space<vmem>> -> memref<64xi32, #tpu.memory_space<vmem>>
      %dma_wait3A_60 = tpu.memref_slice %arg4[%add3A_6] : memref<4096xi32, #tpu.memory_space<hbm>> -> memref<64xi32, #tpu.memory_space<hbm>>
      tpu.wait_dma2 semaphore(%run_scoped3A_44 : memref<!tpu.dma_semaphore, #tpu.memory_space<semaphore_mem>>) src(%dma_wait3A_60 : memref<64xi32, #tpu.memory_space<hbm>>) dst(%dma_wait3A_59 : memref<64xi32, #tpu.memory_space<vmem>>)
      tpu.yield
    }) : () -> ()
    %dma_start3A = arith.constant 0 : i32
    %dma_start3A_8 = arith.constant 0 : i32
    %dma_start3A_9 = tpu.memref_slice %arg2[%dma_start3A, %dma_start3A_8] : memref<8192x128xf32, #tpu.memory_space<hbm>> -> memref<8192x128xf32, #tpu.memory_space<hbm>>
    tpu.enqueue_indirect_dma source(%dma_start3A_9 : memref<8192x128xf32, #tpu.memory_space<hbm>>) target(%arg9 : memref<128x128xf32, #tpu.memory_space<vmem>>) offsets(%arg7 : memref<128xi32, #tpu.memory_space<vmem>>) semaphore(%arg14 : memref<!tpu.dma_semaphore, #tpu.memory_space<semaphore_mem>>)
    %dma_start3A_10 = arith.constant 0 : i32
    %dma_start3A_11 = arith.constant 0 : i32
    %dma_start3A_12 = tpu.memref_slice %arg8[%dma_start3A_10, %dma_start3A_11] : memref<2x64xi32, #tpu.memory_space<vmem>> -> memref<1x64xi32, #tpu.memory_space<vmem>>
    %dma_start3A_13 = tpu.memref_squeeze %dma_start3A_12 : memref<1x64xi32, #tpu.memory_space<vmem>> -> memref<64xi32, #tpu.memory_space<vmem>>
    %dma_start3A_14 = arith.constant 0 : i32
    %dma_start3A_15 = arith.constant 0 : i32
    %dma_start3A_16 = tpu.memref_slice %arg3[%dma_start3A_14, %dma_start3A_15] : memref<8192x512xf32, #tpu.memory_space<hbm>> -> memref<8192x512xf32, #tpu.memory_space<hbm>>
    tpu.enqueue_indirect_dma source(%dma_start3A_16 : memref<8192x512xf32, #tpu.memory_space<hbm>>) target(%arg10 : memref<64x512xf32, #tpu.memory_space<vmem>>) offsets(%dma_start3A_13 : memref<64xi32, #tpu.memory_space<vmem>>) semaphore(%arg12 : memref<!tpu.dma_semaphore, #tpu.memory_space<semaphore_mem>>)
    %dma_start3A_17 = arith.constant 1 : i32
    %dma_start3A_18 = arith.constant 0 : i32
    %dma_start3A_19 = tpu.memref_slice %arg8[%dma_start3A_17, %dma_start3A_18] : memref<2x64xi32, #tpu.memory_space<vmem>> -> memref<1x64xi32, #tpu.memory_space<vmem>>
    %dma_start3A_20 = tpu.memref_squeeze %dma_start3A_19 : memref<1x64xi32, #tpu.memory_space<vmem>> -> memref<64xi32, #tpu.memory_space<vmem>>
    %dma_start3A_21 = arith.constant 0 : i32
    %dma_start3A_22 = arith.constant 0 : i32
    %dma_start3A_23 = tpu.memref_slice %arg3[%dma_start3A_21, %dma_start3A_22] : memref<8192x512xf32, #tpu.memory_space<hbm>> -> memref<8192x512xf32, #tpu.memory_space<hbm>>
    tpu.enqueue_indirect_dma source(%dma_start3A_23 : memref<8192x512xf32, #tpu.memory_space<hbm>>) target(%arg11 : memref<64x512xf32, #tpu.memory_space<vmem>>) offsets(%dma_start3A_20 : memref<64xi32, #tpu.memory_space<vmem>>) semaphore(%arg13 : memref<!tpu.dma_semaphore, #tpu.memory_space<semaphore_mem>>)
    %dma_wait3A = arith.constant 0 : i32
    %dma_wait3A_24 = arith.constant 0 : i32
    %dma_wait3A_25 = tpu.memref_slice %arg8[%dma_wait3A, %dma_wait3A_24] : memref<2x64xi32, #tpu.memory_space<vmem>> -> memref<1x64xi32, #tpu.memory_space<vmem>>
    %dma_wait3A_26 = tpu.memref_squeeze %dma_wait3A_25 : memref<1x64xi32, #tpu.memory_space<vmem>> -> memref<64xi32, #tpu.memory_space<vmem>>
    %dma_wait3A_27 = arith.constant 0 : i32
    %dma_wait3A_28 = arith.constant 0 : i32
    %dma_wait3A_29 = tpu.memref_slice %arg3[%dma_wait3A_27, %dma_wait3A_28] : memref<8192x512xf32, #tpu.memory_space<hbm>> -> memref<8192x512xf32, #tpu.memory_space<hbm>>
    tpu.wait_indirect_dma semaphore(%arg12 : memref<!tpu.dma_semaphore, #tpu.memory_space<semaphore_mem>>) src(%dma_wait3A_29 : memref<8192x512xf32, #tpu.memory_space<hbm>>) dst(%arg10 : memref<64x512xf32, #tpu.memory_space<vmem>>)
    %add3A_30 = arith.constant 0 : i32
    %add3A_31 = arith.addi %mul3A_2, %add3A_30 : i32
    "tpu.region"() ({
      %run_scoped3A_44 = tpu.sem_alloc : memref<!tpu.dma_semaphore, #tpu.memory_space<semaphore_mem>>
      %dma_start3A_45 = arith.constant 0 : i32
      %dma_start3A_46 = tpu.memref_slice %arg6[%add3A_31, %dma_start3A_45] : memref<4096x512xf32, #tpu.memory_space<hbm>> -> memref<64x512xf32, #tpu.memory_space<hbm>>
      %dma_start3A_47 = arith.constant 0 : i32
      %dma_start3A_48 = tpu.memref_slice %arg6[%add3A_31, %dma_start3A_47] : memref<4096x512xf32, #tpu.memory_space<hbm>> -> memref<64x512xf32, #tpu.memory_space<hbm>>
      tpu.enqueue_dma source(%arg10 : memref<64x512xf32, #tpu.memory_space<vmem>>) target(%dma_start3A_48 : memref<64x512xf32, #tpu.memory_space<hbm>>) target_semaphore(%run_scoped3A_44 : memref<!tpu.dma_semaphore, #tpu.memory_space<semaphore_mem>>)
      %dma_wait3A_49 = arith.constant 0 : i32
      %dma_wait3A_50 = tpu.memref_slice %arg6[%add3A_31, %dma_wait3A_49] : memref<4096x512xf32, #tpu.memory_space<hbm>> -> memref<64x512xf32, #tpu.memory_space<hbm>>
      %dma_wait3A_51 = arith.constant 0 : i32
      %dma_wait3A_52 = tpu.memref_slice %arg6[%add3A_31, %dma_wait3A_51] : memref<4096x512xf32, #tpu.memory_space<hbm>> -> memref<64x512xf32, #tpu.memory_space<hbm>>
      tpu.wait_dma2 semaphore(%run_scoped3A_44 : memref<!tpu.dma_semaphore, #tpu.memory_space<semaphore_mem>>) src(%arg10 : memref<64x512xf32, #tpu.memory_space<vmem>>) dst(%dma_wait3A_52 : memref<64x512xf32, #tpu.memory_space<hbm>>)
      tpu.yield
    }) : () -> ()
    %dma_wait3A_32 = arith.constant 1 : i32
    %dma_wait3A_33 = arith.constant 0 : i32
    %dma_wait3A_34 = tpu.memref_slice %arg8[%dma_wait3A_32, %dma_wait3A_33] : memref<2x64xi32, #tpu.memory_space<vmem>> -> memref<1x64xi32, #tpu.memory_space<vmem>>
    %dma_wait3A_35 = tpu.memref_squeeze %dma_wait3A_34 : memref<1x64xi32, #tpu.memory_space<vmem>> -> memref<64xi32, #tpu.memory_space<vmem>>
    %dma_wait3A_36 = arith.constant 0 : i32
    %dma_wait3A_37 = arith.constant 0 : i32
    %dma_wait3A_38 = tpu.memref_slice %arg3[%dma_wait3A_36, %dma_wait3A_37] : memref<8192x512xf32, #tpu.memory_space<hbm>> -> memref<8192x512xf32, #tpu.memory_space<hbm>>
    tpu.wait_indirect_dma semaphore(%arg13 : memref<!tpu.dma_semaphore, #tpu.memory_space<semaphore_mem>>) src(%dma_wait3A_38 : memref<8192x512xf32, #tpu.memory_space<hbm>>) dst(%arg11 : memref<64x512xf32, #tpu.memory_space<vmem>>)
    %add3A_39 = arith.constant 64 : i32
    %add3A_40 = arith.addi %mul3A_2, %add3A_39 : i32
    "tpu.region"() ({
      %run_scoped3A_44 = tpu.sem_alloc : memref<!tpu.dma_semaphore, #tpu.memory_space<semaphore_mem>>
      %dma_start3A_45 = arith.constant 0 : i32
      %dma_start3A_46 = tpu.memref_slice %arg6[%add3A_40, %dma_start3A_45] : memref<4096x512xf32, #tpu.memory_space<hbm>> -> memref<64x512xf32, #tpu.memory_space<hbm>>
      %dma_start3A_47 = arith.constant 0 : i32
      %dma_start3A_48 = tpu.memref_slice %arg6[%add3A_40, %dma_start3A_47] : memref<4096x512xf32, #tpu.memory_space<hbm>> -> memref<64x512xf32, #tpu.memory_space<hbm>>
      tpu.enqueue_dma source(%arg11 : memref<64x512xf32, #tpu.memory_space<vmem>>) target(%dma_start3A_48 : memref<64x512xf32, #tpu.memory_space<hbm>>) target_semaphore(%run_scoped3A_44 : memref<!tpu.dma_semaphore, #tpu.memory_space<semaphore_mem>>)
      %dma_wait3A_49 = arith.constant 0 : i32
      %dma_wait3A_50 = tpu.memref_slice %arg6[%add3A_40, %dma_wait3A_49] : memref<4096x512xf32, #tpu.memory_space<hbm>> -> memref<64x512xf32, #tpu.memory_space<hbm>>
      %dma_wait3A_51 = arith.constant 0 : i32
      %dma_wait3A_52 = tpu.memref_slice %arg6[%add3A_40, %dma_wait3A_51] : memref<4096x512xf32, #tpu.memory_space<hbm>> -> memref<64x512xf32, #tpu.memory_space<hbm>>
      tpu.wait_dma2 semaphore(%run_scoped3A_44 : memref<!tpu.dma_semaphore, #tpu.memory_space<semaphore_mem>>) src(%arg11 : memref<64x512xf32, #tpu.memory_space<vmem>>) dst(%dma_wait3A_52 : memref<64x512xf32, #tpu.memory_space<hbm>>)
      tpu.yield
    }) : () -> ()
    %dma_wait3A_41 = arith.constant 0 : i32
    %dma_wait3A_42 = arith.constant 0 : i32
    %dma_wait3A_43 = tpu.memref_slice %arg2[%dma_wait3A_41, %dma_wait3A_42] : memref<8192x128xf32, #tpu.memory_space<hbm>> -> memref<8192x128xf32, #tpu.memory_space<hbm>>
    tpu.wait_indirect_dma semaphore(%arg14 : memref<!tpu.dma_semaphore, #tpu.memory_space<semaphore_mem>>) src(%dma_wait3A_43 : memref<8192x128xf32, #tpu.memory_space<hbm>>) dst(%arg9 : memref<128x128xf32, #tpu.memory_space<vmem>>)
    "tpu.region"() ({
      %run_scoped3A_44 = tpu.sem_alloc : memref<!tpu.dma_semaphore, #tpu.memory_space<semaphore_mem>>
      %dma_start3A_45 = arith.constant 0 : i32
      %dma_start3A_46 = tpu.memref_slice %arg5[%mul3A_2, %dma_start3A_45] : memref<4096x128xf32, #tpu.memory_space<hbm>> -> memref<128x128xf32, #tpu.memory_space<hbm>>
      %dma_start3A_47 = arith.constant 0 : i32
      %dma_start3A_48 = tpu.memref_slice %arg5[%mul3A_2, %dma_start3A_47] : memref<4096x128xf32, #tpu.memory_space<hbm>> -> memref<128x128xf32, #tpu.memory_space<hbm>>
      tpu.enqueue_dma source(%arg9 : memref<128x128xf32, #tpu.memory_space<vmem>>) target(%dma_start3A_48 : memref<128x128xf32, #tpu.memory_space<hbm>>) target_semaphore(%run_scoped3A_44 : memref<!tpu.dma_semaphore, #tpu.memory_space<semaphore_mem>>)
      %dma_wait3A_49 = arith.constant 0 : i32
      %dma_wait3A_50 = tpu.memref_slice %arg5[%mul3A_2, %dma_wait3A_49] : memref<4096x128xf32, #tpu.memory_space<hbm>> -> memref<128x128xf32, #tpu.memory_space<hbm>>
      %dma_wait3A_51 = arith.constant 0 : i32
      %dma_wait3A_52 = tpu.memref_slice %arg5[%mul3A_2, %dma_wait3A_51] : memref<4096x128xf32, #tpu.memory_space<hbm>> -> memref<128x128xf32, #tpu.memory_space<hbm>>
      tpu.wait_dma2 semaphore(%run_scoped3A_44 : memref<!tpu.dma_semaphore, #tpu.memory_space<semaphore_mem>>) src(%arg9 : memref<128x128xf32, #tpu.memory_space<vmem>>) dst(%dma_wait3A_52 : memref<128x128xf32, #tpu.memory_space<hbm>>)
      tpu.yield
    }) : () -> ()
    return
  }
}

#map = affine_map<(d0, d1) -> (0, 0)>
#map1 = affine_map<(d0, d1) -> (0)>
module attributes {stable_mosaic.version = 14 : i64} {
  func.func @gk(%arg0: i32, %arg1: i32, %arg2: memref<8192x128xf32, #tpu.memory_space<hbm>>, %arg3: memref<8192x512xf32, #tpu.memory_space<hbm>>, %arg4: memref<4096xi32, #tpu.memory_space<hbm>>, %arg5: memref<4096x128xf32, #tpu.memory_space<hbm>>, %arg6: memref<4096x512xf32, #tpu.memory_space<hbm>>, %arg7: memref<128xi32, #tpu.memory_space<vmem>>, %arg8: memref<2x64xi32, #tpu.memory_space<vmem>>, %arg9: memref<128x128xf32, #tpu.memory_space<vmem>>, %arg10: memref<64x512xf32, #tpu.memory_space<vmem>>, %arg11: memref<64x512xf32, #tpu.memory_space<vmem>>, %arg12: memref<!tpu.dma_semaphore, #tpu.memory_space<semaphore_mem>>, %arg13: memref<!tpu.dma_semaphore, #tpu.memory_space<semaphore_mem>>, %arg14: memref<!tpu.dma_semaphore, #tpu.memory_space<semaphore_mem>>) attributes {dimension_semantics = [#tpu.dimension_semantics<core_parallel>, #tpu.dimension_semantics<subcore_parallel>], iteration_bounds = array<i64: 2, 16>, scalar_prefetch = 0 : i64, scratch_operands = 8 : i64, tpu.core_type = #tpu.core_type<sc_vector_subcore>, window_params = [{transform_indices = #map}, {transform_indices = #map}, {transform_indices = #map1}, {transform_indices = #map}, {transform_indices = #map}]} {
    %mul3A = arith.constant 2 : i32
    %mul3A_0 = arith.muli %arg1, %mul3A : i32
    %add3A = arith.addi %mul3A_0, %arg0 : i32
    %mul3A_1 = arith.constant 128 : i32
    %mul3A_2 = arith.muli %add3A, %mul3A_1 : i32
    "tpu.region"() ({
      %run_scoped3A_44 = tpu.sem_alloc : memref<!tpu.dma_semaphore, #tpu.memory_space<semaphore_mem>>
      %dma_start3A_45 = tpu.memref_slice %arg4[%mul3A_2] : memref<4096xi32, #tpu.memory_space<hbm>> -> memref<128xi32, #tpu.memory_space<hbm>>
      %dma_start3A_46 = tpu.memref_slice %arg4[%mul3A_2] : memref<4096xi32, #tpu.memory_space<hbm>> -> memref<128xi32, #tpu.memory_space<hbm>>
      tpu.enqueue_dma source(%dma_start3A_46 : memref<128xi32, #tpu.memory_space<hbm>>) target(%arg7 : memref<128xi32, #tpu.memory_space<vmem>>) target_semaphore(%run_scoped3A_44 : memref<!tpu.dma_semaphore, #tpu.memory_space<semaphore_mem>>)
      %dma_wait3A_47 = tpu.memref_slice %arg4[%mul3A_2] : memref<4096xi32, #tpu.memory_space<hbm>> -> memref<128xi32, #tpu.memory_space<hbm>>
      %dma_wait3A_48 = tpu.memref_slice %arg4[%mul3A_2] : memref<4096xi32, #tpu.memory_space<hbm>> -> memref<128xi32, #tpu.memory_space<hbm>>
      tpu.wait_dma2 semaphore(%run_scoped3A_44 : memref<!tpu.dma_semaphore, #tpu.memory_space<semaphore_mem>>) src(%dma_wait3A_48 : memref<128xi32, #tpu.memory_space<hbm>>) dst(%arg7 : memref<128xi32, #tpu.memory_space<vmem>>)
      tpu.yield
    }) : () -> ()
    %add3A_3 = arith.constant 0 : i32
    %add3A_4 = arith.addi %mul3A_2, %add3A_3 : i32
    %run_scoped3A = arith.constant 0 : i32
    "tpu.region"() ({
      %run_scoped3A_44 = tpu.sem_alloc : memref<!tpu.dma_semaphore, #tpu.memory_space<semaphore_mem>>
      %dma_start3A_45 = arith.constant 0 : i32
      %dma_start3A_46 = tpu.memref_slice %arg8[%run_scoped3A, %dma_start3A_45] : memref<2x64xi32, #tpu.memory_space<vmem>> -> memref<1x64xi32, #tpu.memory_space<vmem>>
      %dma_start3A_47 = tpu.memref_squeeze %dma_start3A_46 : memref<1x64xi32, #tpu.memory_space<vmem>> -> memref<64xi32, #tpu.memory_space<vmem>>
      %dma_start3A_48 = tpu.memref_slice %arg4[%add3A_4] : memref<4096xi32, #tpu.memory_space<hbm>> -> memref<64xi32, #tpu.memory_space<hbm>>
      %dma_start3A_49 = arith.constant 0 : i32
      %dma_start3A_50 = tpu.memref_slice %arg8[%run_scoped3A, %dma_start3A_49] : memref<2x64xi32, #tpu.memory_space<vmem>> -> memref<1x64xi32, #tpu.memory_space<vmem>>
      %dma_start3A_51 = tpu.memref_squeeze %dma_start3A_50 : memref<1x64xi32, #tpu.memory_space<vmem>> -> memref<64xi32, #tpu.memory_space<vmem>>
      %dma_start3A_52 = tpu.memref_slice %arg4[%add3A_4] : memref<4096xi32, #tpu.memory_space<hbm>> -> memref<64xi32, #tpu.memory_space<hbm>>
      tpu.enqueue_dma source(%dma_start3A_52 : memref<64xi32, #tpu.memory_space<hbm>>) target(%dma_start3A_51 : memref<64xi32, #tpu.memory_space<vmem>>) target_semaphore(%run_scoped3A_44 : memref<!tpu.dma_semaphore, #tpu.memory_space<semaphore_mem>>)
      %dma_wait3A_53 = arith.constant 0 : i32
      %dma_wait3A_54 = tpu.memref_slice %arg8[%run_scoped3A, %dma_wait3A_53] : memref<2x64xi32, #tpu.memory_space<vmem>> -> memref<1x64xi32, #tpu.memory_space<vmem>>
      %dma_wait3A_55 = tpu.memref_squeeze %dma_wait3A_54 : memref<1x64xi32, #tpu.memory_space<vmem>> -> memref<64xi32, #tpu.memory_space<vmem>>
      %dma_wait3A_56 = tpu.memref_slice %arg4[%add3A_4] : memref<4096xi32, #tpu.memory_space<hbm>> -> memref<64xi32, #tpu.memory_space<hbm>>
      %dma_wait3A_57 = arith.constant 0 : i32
      %dma_wait3A_58 = tpu.memref_slice %arg8[%run_scoped3A, %dma_wait3A_57] : memref<2x64xi32, #tpu.memory_space<vmem>> -> memref<1x64xi32, #tpu.memory_space<vmem>>
      %dma_wait3A_59 = tpu.memref_squeeze %dma_wait3A_58 : memref<1x64xi32, #tpu.memory_space<vmem>> -> memref<64xi32, #tpu.memory_space<vmem>>
      %dma_wait3A_60 = tpu.memref_slice %arg4[%add3A_4] : memref<4096xi32, #tpu.memory_space<hbm>> -> memref<64xi32, #tpu.memory_space<hbm>>
      tpu.wait_dma2 semaphore(%run_scoped3A_44 : memref<!tpu.dma_semaphore, #tpu.memory_space<semaphore_mem>>) src(%dma_wait3A_60 : memref<64xi32, #tpu.memory_space<hbm>>) dst(%dma_wait3A_59 : memref<64xi32, #tpu.memory_space<vmem>>)
      tpu.yield
    }) : () -> ()
    %add3A_5 = arith.constant 64 : i32
    %add3A_6 = arith.addi %mul3A_2, %add3A_5 : i32
    %run_scoped3A_7 = arith.constant 1 : i32
    "tpu.region"() ({
      %run_scoped3A_44 = tpu.sem_alloc : memref<!tpu.dma_semaphore, #tpu.memory_space<semaphore_mem>>
      %dma_start3A_45 = arith.constant 0 : i32
      %dma_start3A_46 = tpu.memref_slice %arg8[%run_scoped3A_7, %dma_start3A_45] : memref<2x64xi32, #tpu.memory_space<vmem>> -> memref<1x64xi32, #tpu.memory_space<vmem>>
      %dma_start3A_47 = tpu.memref_squeeze %dma_start3A_46 : memref<1x64xi32, #tpu.memory_space<vmem>> -> memref<64xi32, #tpu.memory_space<vmem>>
      %dma_start3A_48 = tpu.memref_slice %arg4[%add3A_6] : memref<4096xi32, #tpu.memory_space<hbm>> -> memref<64xi32, #tpu.memory_space<hbm>>
      %dma_start3A_49 = arith.constant 0 : i32
      %dma_start3A_50 = tpu.memref_slice %arg8[%run_scoped3A_7, %dma_start3A_49] : memref<2x64xi32, #tpu.memory_space<vmem>> -> memref<1x64xi32, #tpu.memory_space<vmem>>
      %dma_start3A_51 = tpu.memref_squeeze %dma_start3A_50 : memref<1x64xi32, #tpu.memory_space<vmem>> -> memref<64xi32, #tpu.memory_space<vmem>>
      %dma_start3A_52 = tpu.memref_slice %arg4[%add3A_6] : memref<4096xi32, #tpu.memory_space<hbm>> -> memref<64xi32, #tpu.memory_space<hbm>>
      tpu.enqueue_dma source(%dma_start3A_52 : memref<64xi32, #tpu.memory_space<hbm>>) target(%dma_start3A_51 : memref<64xi32, #tpu.memory_space<vmem>>) target_semaphore(%run_scoped3A_44 : memref<!tpu.dma_semaphore, #tpu.memory_space<semaphore_mem>>)
      %dma_wait3A_53 = arith.constant 0 : i32
      %dma_wait3A_54 = tpu.memref_slice %arg8[%run_scoped3A_7, %dma_wait3A_53] : memref<2x64xi32, #tpu.memory_space<vmem>> -> memref<1x64xi32, #tpu.memory_space<vmem>>
      %dma_wait3A_55 = tpu.memref_squeeze %dma_wait3A_54 : memref<1x64xi32, #tpu.memory_space<vmem>> -> memref<64xi32, #tpu.memory_space<vmem>>
      %dma_wait3A_56 = tpu.memref_slice %arg4[%add3A_6] : memref<4096xi32, #tpu.memory_space<hbm>> -> memref<64xi32, #tpu.memory_space<hbm>>
      %dma_wait3A_57 = arith.constant 0 : i32
      %dma_wait3A_58 = tpu.memref_slice %arg8[%run_scoped3A_7, %dma_wait3A_57] : memref<2x64xi32, #tpu.memory_space<vmem>> -> memref<1x64xi32, #tpu.memory_space<vmem>>
      %dma_wait3A_59 = tpu.memref_squeeze %dma_wait3A_58 : memref<1x64xi32, #tpu.memory_space<vmem>> -> memref<64xi32, #tpu.memory_space<vmem>>
      %dma_wait3A_60 = tpu.memref_slice %arg4[%add3A_6] : memref<4096xi32, #tpu.memory_space<hbm>> -> memref<64xi32, #tpu.memory_space<hbm>>
      tpu.wait_dma2 semaphore(%run_scoped3A_44 : memref<!tpu.dma_semaphore, #tpu.memory_space<semaphore_mem>>) src(%dma_wait3A_60 : memref<64xi32, #tpu.memory_space<hbm>>) dst(%dma_wait3A_59 : memref<64xi32, #tpu.memory_space<vmem>>)
      tpu.yield
    }) : () -> ()
    %dma_start3A = arith.constant 0 : i32
    %dma_start3A_8 = arith.constant 0 : i32
    %dma_start3A_9 = tpu.memref_slice %arg2[%dma_start3A, %dma_start3A_8] : memref<8192x128xf32, #tpu.memory_space<hbm>> -> memref<8192x128xf32, #tpu.memory_space<hbm>>
    tpu.enqueue_indirect_dma source(%dma_start3A_9 : memref<8192x128xf32, #tpu.memory_space<hbm>>) target(%arg9 : memref<128x128xf32, #tpu.memory_space<vmem>>) offsets(%arg7 : memref<128xi32, #tpu.memory_space<vmem>>) semaphore(%arg14 : memref<!tpu.dma_semaphore, #tpu.memory_space<semaphore_mem>>)
    %dma_start3A_10 = arith.constant 0 : i32
    %dma_start3A_11 = arith.constant 0 : i32
    %dma_start3A_12 = tpu.memref_slice %arg8[%dma_start3A_10, %dma_start3A_11] : memref<2x64xi32, #tpu.memory_space<vmem>> -> memref<1x64xi32, #tpu.memory_space<vmem>>
    %dma_start3A_13 = tpu.memref_squeeze %dma_start3A_12 : memref<1x64xi32, #tpu.memory_space<vmem>> -> memref<64xi32, #tpu.memory_space<vmem>>
    %dma_start3A_14 = arith.constant 0 : i32
    %dma_start3A_15 = arith.constant 0 : i32
    %dma_start3A_16 = tpu.memref_slice %arg3[%dma_start3A_14, %dma_start3A_15] : memref<8192x512xf32, #tpu.memory_space<hbm>> -> memref<8192x512xf32, #tpu.memory_space<hbm>>
    tpu.enqueue_indirect_dma source(%dma_start3A_16 : memref<8192x512xf32, #tpu.memory_space<hbm>>) target(%arg10 : memref<64x512xf32, #tpu.memory_space<vmem>>) offsets(%dma_start3A_13 : memref<64xi32, #tpu.memory_space<vmem>>) semaphore(%arg12 : memref<!tpu.dma_semaphore, #tpu.memory_space<semaphore_mem>>)
    %dma_start3A_17 = arith.constant 1 : i32
    %dma_start3A_18 = arith.constant 0 : i32
    %dma_start3A_19 = tpu.memref_slice %arg8[%dma_start3A_17, %dma_start3A_18] : memref<2x64xi32, #tpu.memory_space<vmem>> -> memref<1x64xi32, #tpu.memory_space<vmem>>
    %dma_start3A_20 = tpu.memref_squeeze %dma_start3A_19 : memref<1x64xi32, #tpu.memory_space<vmem>> -> memref<64xi32, #tpu.memory_space<vmem>>
    %dma_start3A_21 = arith.constant 0 : i32
    %dma_start3A_22 = arith.constant 0 : i32
    %dma_start3A_23 = tpu.memref_slice %arg3[%dma_start3A_21, %dma_start3A_22] : memref<8192x512xf32, #tpu.memory_space<hbm>> -> memref<8192x512xf32, #tpu.memory_space<hbm>>
    tpu.enqueue_indirect_dma source(%dma_start3A_23 : memref<8192x512xf32, #tpu.memory_space<hbm>>) target(%arg11 : memref<64x512xf32, #tpu.memory_space<vmem>>) offsets(%dma_start3A_20 : memref<64xi32, #tpu.memory_space<vmem>>) semaphore(%arg13 : memref<!tpu.dma_semaphore, #tpu.memory_space<semaphore_mem>>)
    %dma_wait3A = arith.constant 0 : i32
    %dma_wait3A_24 = arith.constant 0 : i32
    %dma_wait3A_25 = tpu.memref_slice %arg8[%dma_wait3A, %dma_wait3A_24] : memref<2x64xi32, #tpu.memory_space<vmem>> -> memref<1x64xi32, #tpu.memory_space<vmem>>
    %dma_wait3A_26 = tpu.memref_squeeze %dma_wait3A_25 : memref<1x64xi32, #tpu.memory_space<vmem>> -> memref<64xi32, #tpu.memory_space<vmem>>
    %dma_wait3A_27 = arith.constant 0 : i32
    %dma_wait3A_28 = arith.constant 0 : i32
    %dma_wait3A_29 = tpu.memref_slice %arg3[%dma_wait3A_27, %dma_wait3A_28] : memref<8192x512xf32, #tpu.memory_space<hbm>> -> memref<8192x512xf32, #tpu.memory_space<hbm>>
    tpu.wait_indirect_dma semaphore(%arg12 : memref<!tpu.dma_semaphore, #tpu.memory_space<semaphore_mem>>) src(%dma_wait3A_29 : memref<8192x512xf32, #tpu.memory_space<hbm>>) dst(%arg10 : memref<64x512xf32, #tpu.memory_space<vmem>>)
    %add3A_30 = arith.constant 0 : i32
    %add3A_31 = arith.addi %mul3A_2, %add3A_30 : i32
    "tpu.region"() ({
      %run_scoped3A_44 = tpu.sem_alloc : memref<!tpu.dma_semaphore, #tpu.memory_space<semaphore_mem>>
      %dma_start3A_45 = arith.constant 0 : i32
      %dma_start3A_46 = tpu.memref_slice %arg6[%add3A_31, %dma_start3A_45] : memref<4096x512xf32, #tpu.memory_space<hbm>> -> memref<64x512xf32, #tpu.memory_space<hbm>>
      %dma_start3A_47 = arith.constant 0 : i32
      %dma_start3A_48 = tpu.memref_slice %arg6[%add3A_31, %dma_start3A_47] : memref<4096x512xf32, #tpu.memory_space<hbm>> -> memref<64x512xf32, #tpu.memory_space<hbm>>
      tpu.enqueue_dma source(%arg10 : memref<64x512xf32, #tpu.memory_space<vmem>>) target(%dma_start3A_48 : memref<64x512xf32, #tpu.memory_space<hbm>>) target_semaphore(%run_scoped3A_44 : memref<!tpu.dma_semaphore, #tpu.memory_space<semaphore_mem>>)
      %dma_wait3A_49 = arith.constant 0 : i32
      %dma_wait3A_50 = tpu.memref_slice %arg6[%add3A_31, %dma_wait3A_49] : memref<4096x512xf32, #tpu.memory_space<hbm>> -> memref<64x512xf32, #tpu.memory_space<hbm>>
      %dma_wait3A_51 = arith.constant 0 : i32
      %dma_wait3A_52 = tpu.memref_slice %arg6[%add3A_31, %dma_wait3A_51] : memref<4096x512xf32, #tpu.memory_space<hbm>> -> memref<64x512xf32, #tpu.memory_space<hbm>>
      tpu.wait_dma2 semaphore(%run_scoped3A_44 : memref<!tpu.dma_semaphore, #tpu.memory_space<semaphore_mem>>) src(%arg10 : memref<64x512xf32, #tpu.memory_space<vmem>>) dst(%dma_wait3A_52 : memref<64x512xf32, #tpu.memory_space<hbm>>)
      tpu.yield
    }) : () -> ()
    %dma_wait3A_32 = arith.constant 1 : i32
    %dma_wait3A_33 = arith.constant 0 : i32
    %dma_wait3A_34 = tpu.memref_slice %arg8[%dma_wait3A_32, %dma_wait3A_33] : memref<2x64xi32, #tpu.memory_space<vmem>> -> memref<1x64xi32, #tpu.memory_space<vmem>>
    %dma_wait3A_35 = tpu.memref_squeeze %dma_wait3A_34 : memref<1x64xi32, #tpu.memory_space<vmem>> -> memref<64xi32, #tpu.memory_space<vmem>>
    %dma_wait3A_36 = arith.constant 0 : i32
    %dma_wait3A_37 = arith.constant 0 : i32
    %dma_wait3A_38 = tpu.memref_slice %arg3[%dma_wait3A_36, %dma_wait3A_37] : memref<8192x512xf32, #tpu.memory_space<hbm>> -> memref<8192x512xf32, #tpu.memory_space<hbm>>
    tpu.wait_indirect_dma semaphore(%arg13 : memref<!tpu.dma_semaphore, #tpu.memory_space<semaphore_mem>>) src(%dma_wait3A_38 : memref<8192x512xf32, #tpu.memory_space<hbm>>) dst(%arg11 : memref<64x512xf32, #tpu.memory_space<vmem>>)
    %add3A_39 = arith.constant 64 : i32
    %add3A_40 = arith.addi %mul3A_2, %add3A_39 : i32
    "tpu.region"() ({
      %run_scoped3A_44 = tpu.sem_alloc : memref<!tpu.dma_semaphore, #tpu.memory_space<semaphore_mem>>
      %dma_start3A_45 = arith.constant 0 : i32
      %dma_start3A_46 = tpu.memref_slice %arg6[%add3A_40, %dma_start3A_45] : memref<4096x512xf32, #tpu.memory_space<hbm>> -> memref<64x512xf32, #tpu.memory_space<hbm>>
      %dma_start3A_47 = arith.constant 0 : i32
      %dma_start3A_48 = tpu.memref_slice %arg6[%add3A_40, %dma_start3A_47] : memref<4096x512xf32, #tpu.memory_space<hbm>> -> memref<64x512xf32, #tpu.memory_space<hbm>>
      tpu.enqueue_dma source(%arg11 : memref<64x512xf32, #tpu.memory_space<vmem>>) target(%dma_start3A_48 : memref<64x512xf32, #tpu.memory_space<hbm>>) target_semaphore(%run_scoped3A_44 : memref<!tpu.dma_semaphore, #tpu.memory_space<semaphore_mem>>)
      %dma_wait3A_49 = arith.constant 0 : i32
      %dma_wait3A_50 = tpu.memref_slice %arg6[%add3A_40, %dma_wait3A_49] : memref<4096x512xf32, #tpu.memory_space<hbm>> -> memref<64x512xf32, #tpu.memory_space<hbm>>
      %dma_wait3A_51 = arith.constant 0 : i32
      %dma_wait3A_52 = tpu.memref_slice %arg6[%add3A_40, %dma_wait3A_51] : memref<4096x512xf32, #tpu.memory_space<hbm>> -> memref<64x512xf32, #tpu.memory_space<hbm>>
      tpu.wait_dma2 semaphore(%run_scoped3A_44 : memref<!tpu.dma_semaphore, #tpu.memory_space<semaphore_mem>>) src(%arg11 : memref<64x512xf32, #tpu.memory_space<vmem>>) dst(%dma_wait3A_52 : memref<64x512xf32, #tpu.memory_space<hbm>>)
      tpu.yield
    }) : () -> ()
    %dma_wait3A_41 = arith.constant 0 : i32
    %dma_wait3A_42 = arith.constant 0 : i32
    %dma_wait3A_43 = tpu.memref_slice %arg2[%dma_wait3A_41, %dma_wait3A_42] : memref<8192x128xf32, #tpu.memory_space<hbm>> -> memref<8192x128xf32, #tpu.memory_space<hbm>>
    tpu.wait_indirect_dma semaphore(%arg14 : memref<!tpu.dma_semaphore, #tpu.memory_space<semaphore_mem>>) src(%dma_wait3A_43 : memref<8192x128xf32, #tpu.memory_space<hbm>>) dst(%arg9 : memref<128x128xf32, #tpu.memory_space<vmem>>)
    "tpu.region"() ({
      %run_scoped3A_44 = tpu.sem_alloc : memref<!tpu.dma_semaphore, #tpu.memory_space<semaphore_mem>>
      %dma_start3A_45 = arith.constant 0 : i32
      %dma_start3A_46 = tpu.memref_slice %arg5[%mul3A_2, %dma_start3A_45] : memref<4096x128xf32, #tpu.memory_space<hbm>> -> memref<128x128xf32, #tpu.memory_space<hbm>>
      %dma_start3A_47 = arith.constant 0 : i32
      %dma_start3A_48 = tpu.memref_slice %arg5[%mul3A_2, %dma_start3A_47] : memref<4096x128xf32, #tpu.memory_space<hbm>> -> memref<128x128xf32, #tpu.memory_space<hbm>>
      tpu.enqueue_dma source(%arg9 : memref<128x128xf32, #tpu.memory_space<vmem>>) target(%dma_start3A_48 : memref<128x128xf32, #tpu.memory_space<hbm>>) target_semaphore(%run_scoped3A_44 : memref<!tpu.dma_semaphore, #tpu.memory_space<semaphore_mem>>)
      %dma_wait3A_49 = arith.constant 0 : i32
      %dma_wait3A_50 = tpu.memref_slice %arg5[%mul3A_2, %dma_wait3A_49] : memref<4096x128xf32, #tpu.memory_space<hbm>> -> memref<128x128xf32, #tpu.memory_space<hbm>>
      %dma_wait3A_51 = arith.constant 0 : i32
      %dma_wait3A_52 = tpu.memref_slice %arg5[%mul3A_2, %dma_wait3A_51] : memref<4096x128xf32, #tpu.memory_space<hbm>> -> memref<128x128xf32, #tpu.memory_space<hbm>>
      tpu.wait_dma2 semaphore(%run_scoped3A_44 : memref<!tpu.dma_semaphore, #tpu.memory_space<semaphore_mem>>) src(%arg9 : memref<128x128xf32, #tpu.memory_space<vmem>>) dst(%dma_wait3A_52 : memref<128x128xf32, #tpu.memory_space<hbm>>)
      tpu.yield
    }) : () -> ()
    return
  }
}

module attributes {stable_mosaic.version = 14 : i64} {
  func.func @_knn_body(%arg0: i32, %arg1: memref<3x1024xf32, #tpu.memory_space<vmem>>, %arg2: memref<8x8192xf32, #tpu.memory_space<vmem>>, %arg3: memref<1024xi32, #tpu.memory_space<vmem>>) attributes {dimension_semantics = [#tpu.dimension_semantics<arbitrary>], iteration_bounds = array<i64: 4>, scalar_prefetch = 0 : i64, scratch_operands = 0 : i64, tpu.core_type = #tpu.core_type<tc>, window_params = [{transform_indices = @transform_0, window_bounds = array<i64: 3, 1024>}, {pipeline_mode = #tpu.pipeline_mode<synchronous>, transform_indices = @transform_1, window_bounds = array<i64: 8, 8192>}, {transform_indices = @transform_2, window_bounds = array<i64: 1024>}]} {
    %get3A = arith.constant 0 : index
    %get3A_0 = arith.constant 0 : index
    %get3A_1 = vector.load %arg2[%get3A, %get3A_0] : memref<8x8192xf32, #tpu.memory_space<vmem>>, vector<8x8192xf32>
    %mul3A = arith.mulf %get3A_1, %get3A_1 : vector<8x8192xf32>
    %reduce_sum3A = arith.constant dense<0.000000e+00> : vector<8192xf32>
    %reduce_sum3A_2 = vector.multi_reduction <add>, %mul3A, %reduce_sum3A [0] : vector<8x8192xf32> to vector<8192xf32>
    %broadcast_in_dim3A = vector.shape_cast %reduce_sum3A_2 : vector<8192xf32> to vector<1x8192xf32>
    %iota3A = tpu.iota {dimensions = array<i32: 0>} : vector<8x8192xi32>
    %eq3A = arith.constant 3 : i32
    %eq3A_3 = vector.broadcast %eq3A : i32 to vector<8x8192xi32>
    %eq3A_4 = arith.cmpi eq, %iota3A, %eq3A_3 : vector<8x8192xi32>
    %eq3A_5 = arith.constant 4 : i32
    %eq3A_6 = vector.broadcast %eq3A_5 : i32 to vector<8x8192xi32>
    %eq3A_7 = arith.cmpi eq, %iota3A, %eq3A_6 : vector<8x8192xi32>
    %jit3A = arith.constant 1.000000e+00 : f32
    %broadcast_in_dim3A_8 = vector.broadcast %jit3A : f32 to vector<8x8192xf32>
    %select_n3A = arith.select %eq3A_7, %broadcast_in_dim3A_8, %get3A_1 : vector<8x8192xi1>, vector<8x8192xf32>
    %broadcast_in_dim3A_9 = vector.shape_cast %broadcast_in_dim3A : vector<1x8192xf32> to vector<1x8192xf32>
    %broadcast_in_dim3A_10 = vector.broadcast %broadcast_in_dim3A_9 : vector<1x8192xf32> to vector<8x8192xf32>
    %select_n3A_11 = arith.select %eq3A_4, %broadcast_in_dim3A_10, %select_n3A : vector<8x8192xi1>, vector<8x8192xf32>
    %get3A_12 = arith.constant 0 : index
    %get3A_13 = arith.constant 0 : index
    %get3A_14 = vector.load %arg1[%get3A_12, %get3A_13] : memref<3x1024xf32, #tpu.memory_space<vmem>>, vector<3x1024xf32>
    %jit3A_15 = arith.constant 0 : i32
    %convert_element_type3A = arith.sitofp %jit3A_15 : i32 to f32
    %pad3A = vector.broadcast %convert_element_type3A : f32 to vector<5x1024xf32>
    %pad3A_16 = tpu.concatenate %get3A_14, %pad3A in 0 : vector<3x1024xf32>, vector<5x1024xf32> -> vector<8x1024xf32>
    %mul3A_17 = arith.mulf %pad3A_16, %pad3A_16 : vector<8x1024xf32>
    %reduce_sum3A_18 = arith.constant dense<0.000000e+00> : vector<1024xf32>
    %reduce_sum3A_19 = vector.multi_reduction <add>, %mul3A_17, %reduce_sum3A_18 [0] : vector<8x1024xf32> to vector<1024xf32>
    %broadcast_in_dim3A_20 = vector.shape_cast %reduce_sum3A_19 : vector<1024xf32> to vector<1x1024xf32>
    %iota3A_21 = tpu.iota {dimensions = array<i32: 0>} : vector<8x1024xi32>
    %eq3A_22 = arith.constant 3 : i32
    %eq3A_23 = vector.broadcast %eq3A_22 : i32 to vector<8x1024xi32>
    %eq3A_24 = arith.cmpi eq, %iota3A_21, %eq3A_23 : vector<8x1024xi32>
    %eq3A_25 = arith.constant 4 : i32
    %eq3A_26 = vector.broadcast %eq3A_25 : i32 to vector<8x1024xi32>
    %eq3A_27 = arith.cmpi eq, %iota3A_21, %eq3A_26 : vector<8x1024xi32>
    %mul3A_28 = arith.constant -2.000000e+00 : f32
    %mul3A_29 = vector.broadcast %mul3A_28 : f32 to vector<8x1024xf32>
    %mul3A_30 = arith.mulf %pad3A_16, %mul3A_29 : vector<8x1024xf32>
    %broadcast_in_dim3A_31 = vector.shape_cast %broadcast_in_dim3A_20 : vector<1x1024xf32> to vector<1x1024xf32>
    %broadcast_in_dim3A_32 = vector.broadcast %broadcast_in_dim3A_31 : vector<1x1024xf32> to vector<8x1024xf32>
    %select_n3A_33 = arith.select %eq3A_27, %broadcast_in_dim3A_32, %mul3A_30 : vector<8x1024xi1>, vector<8x1024xf32>
    %jit3A_34 = arith.constant 1.000000e+00 : f32
    %broadcast_in_dim3A_35 = vector.broadcast %jit3A_34 : f32 to vector<8x1024xf32>
    %select_n3A_36 = arith.select %eq3A_24, %broadcast_in_dim3A_35, %select_n3A_33 : vector<8x1024xi1>, vector<8x1024xf32>
    %transpose3A = tpu.transpose %select_n3A_36, [1, 0] : vector<8x1024xf32> -> vector<1024x8xf32>
    %broadcast_in_dim3A_37 = arith.constant 0x7F800000 : f32
    %broadcast_in_dim3A_38 = vector.broadcast %broadcast_in_dim3A_37 : f32 to vector<1024xf32>
    %broadcast_in_dim3A_39 = arith.constant 0 : i32
    %broadcast_in_dim3A_40 = vector.broadcast %broadcast_in_dim3A_39 : i32 to vector<1024xi32>
    %slice3A = vector.extract_strided_slice %select_n3A_11 {offsets = [0, 0], sizes = [8, 1024], strides = [1, 1]} : vector<8x8192xf32> to vector<8x1024xf32>
    %dot_general3A = arith.constant dense<0.000000e+00> : vector<1024x1024xf32>
    %dot_general3A_41 = tpu.matmul %transpose3A, %slice3A, %dot_general3A {dimension_numbers = #tpu.dot_dimension_numbers<[1], [0], [0], [1], [0, 0, 1, 1], [], []>, transpose_lhs_hint = false} : vector<1024x8xf32>, vector<8x1024xf32>, vector<1024x1024xf32> -> vector<1024x1024xf32>
    %bitcast_convert_type3A = tpu.bitcast %dot_general3A_41 : vector<1024x1024xf32> -> vector<1024x1024xi32>
    %iota3A_42 = tpu.iota {dimensions = array<i32: 1>} : vector<1024x1024xi32>
    %and3A = arith.constant -1024 : i32
    %and3A_43 = vector.broadcast %and3A : i32 to vector<1024x1024xi32>
    %and3A_44 = arith.andi %bitcast_convert_type3A, %and3A_43 : vector<1024x1024xi32>
    %or3A = arith.ori %and3A_44, %iota3A_42 : vector<1024x1024xi32>
    %bitcast_convert_type3A_45 = tpu.bitcast %or3A : vector<1024x1024xi32> -> vector<1024x1024xf32>
    %reduce_min3A = arith.constant dense<0x7F800000> : vector<1024xf32>
    %reduce_min3A_46 = vector.multi_reduction <minimumf>, %bitcast_convert_type3A_45, %reduce_min3A [1] : vector<1024x1024xf32> to vector<1024xf32>
    %lt3A = arith.cmpf olt, %reduce_min3A_46, %broadcast_in_dim3A_38 : vector<1024xf32>
    %select_n3A_47 = arith.select %lt3A, %reduce_min3A_46, %broadcast_in_dim3A_38 : vector<1024xi1>, vector<1024xf32>
    %jit3A_48 = arith.constant 0 : i32
    %broadcast_in_dim3A_49 = vector.broadcast %jit3A_48 : i32 to vector<1024xi32>
    %select_n3A_50 = arith.select %lt3A, %broadcast_in_dim3A_49, %broadcast_in_dim3A_40 : vector<1024xi1>, vector<1024xi32>
    %slice3A_51 = vector.extract_strided_slice %select_n3A_11 {offsets = [0, 1024], sizes = [8, 1024], strides = [1, 1]} : vector<8x8192xf32> to vector<8x1024xf32>
    %dot_general3A_52 = arith.constant dense<0.000000e+00> : vector<1024x1024xf32>
    %dot_general3A_53 = tpu.matmul %transpose3A, %slice3A_51, %dot_general3A_52 {dimension_numbers = #tpu.dot_dimension_numbers<[1], [0], [0], [1], [0, 0, 1, 1], [], []>, transpose_lhs_hint = false} : vector<1024x8xf32>, vector<8x1024xf32>, vector<1024x1024xf32> -> vector<1024x1024xf32>
    %bitcast_convert_type3A_54 = tpu.bitcast %dot_general3A_53 : vector<1024x1024xf32> -> vector<1024x1024xi32>
    %iota3A_55 = tpu.iota {dimensions = array<i32: 1>} : vector<1024x1024xi32>
    %and3A_56 = arith.constant -1024 : i32
    %and3A_57 = vector.broadcast %and3A_56 : i32 to vector<1024x1024xi32>
    %and3A_58 = arith.andi %bitcast_convert_type3A_54, %and3A_57 : vector<1024x1024xi32>
    %or3A_59 = arith.ori %and3A_58, %iota3A_55 : vector<1024x1024xi32>
    %bitcast_convert_type3A_60 = tpu.bitcast %or3A_59 : vector<1024x1024xi32> -> vector<1024x1024xf32>
    %reduce_min3A_61 = arith.constant dense<0x7F800000> : vector<1024xf32>
    %reduce_min3A_62 = vector.multi_reduction <minimumf>, %bitcast_convert_type3A_60, %reduce_min3A_61 [1] : vector<1024x1024xf32> to vector<1024xf32>
    %lt3A_63 = arith.cmpf olt, %reduce_min3A_62, %select_n3A_47 : vector<1024xf32>
    %select_n3A_64 = arith.select %lt3A_63, %reduce_min3A_62, %select_n3A_47 : vector<1024xi1>, vector<1024xf32>
    %jit3A_65 = arith.constant 1 : i32
    %broadcast_in_dim3A_66 = vector.broadcast %jit3A_65 : i32 to vector<1024xi32>
    %select_n3A_67 = arith.select %lt3A_63, %broadcast_in_dim3A_66, %select_n3A_50 : vector<1024xi1>, vector<1024xi32>
    %slice3A_68 = vector.extract_strided_slice %select_n3A_11 {offsets = [0, 2048], sizes = [8, 1024], strides = [1, 1]} : vector<8x8192xf32> to vector<8x1024xf32>
    %dot_general3A_69 = arith.constant dense<0.000000e+00> : vector<1024x1024xf32>
    %dot_general3A_70 = tpu.matmul %transpose3A, %slice3A_68, %dot_general3A_69 {dimension_numbers = #tpu.dot_dimension_numbers<[1], [0], [0], [1], [0, 0, 1, 1], [], []>, transpose_lhs_hint = false} : vector<1024x8xf32>, vector<8x1024xf32>, vector<1024x1024xf32> -> vector<1024x1024xf32>
    %bitcast_convert_type3A_71 = tpu.bitcast %dot_general3A_70 : vector<1024x1024xf32> -> vector<1024x1024xi32>
    %iota3A_72 = tpu.iota {dimensions = array<i32: 1>} : vector<1024x1024xi32>
    %and3A_73 = arith.constant -1024 : i32
    %and3A_74 = vector.broadcast %and3A_73 : i32 to vector<1024x1024xi32>
    %and3A_75 = arith.andi %bitcast_convert_type3A_71, %and3A_74 : vector<1024x1024xi32>
    %or3A_76 = arith.ori %and3A_75, %iota3A_72 : vector<1024x1024xi32>
    %bitcast_convert_type3A_77 = tpu.bitcast %or3A_76 : vector<1024x1024xi32> -> vector<1024x1024xf32>
    %reduce_min3A_78 = arith.constant dense<0x7F800000> : vector<1024xf32>
    %reduce_min3A_79 = vector.multi_reduction <minimumf>, %bitcast_convert_type3A_77, %reduce_min3A_78 [1] : vector<1024x1024xf32> to vector<1024xf32>
    %lt3A_80 = arith.cmpf olt, %reduce_min3A_79, %select_n3A_64 : vector<1024xf32>
    %select_n3A_81 = arith.select %lt3A_80, %reduce_min3A_79, %select_n3A_64 : vector<1024xi1>, vector<1024xf32>
    %jit3A_82 = arith.constant 2 : i32
    %broadcast_in_dim3A_83 = vector.broadcast %jit3A_82 : i32 to vector<1024xi32>
    %select_n3A_84 = arith.select %lt3A_80, %broadcast_in_dim3A_83, %select_n3A_67 : vector<1024xi1>, vector<1024xi32>
    %slice3A_85 = vector.extract_strided_slice %select_n3A_11 {offsets = [0, 3072], sizes = [8, 1024], strides = [1, 1]} : vector<8x8192xf32> to vector<8x1024xf32>
    %dot_general3A_86 = arith.constant dense<0.000000e+00> : vector<1024x1024xf32>
    %dot_general3A_87 = tpu.matmul %transpose3A, %slice3A_85, %dot_general3A_86 {dimension_numbers = #tpu.dot_dimension_numbers<[1], [0], [0], [1], [0, 0, 1, 1], [], []>, transpose_lhs_hint = false} : vector<1024x8xf32>, vector<8x1024xf32>, vector<1024x1024xf32> -> vector<1024x1024xf32>
    %bitcast_convert_type3A_88 = tpu.bitcast %dot_general3A_87 : vector<1024x1024xf32> -> vector<1024x1024xi32>
    %iota3A_89 = tpu.iota {dimensions = array<i32: 1>} : vector<1024x1024xi32>
    %and3A_90 = arith.constant -1024 : i32
    %and3A_91 = vector.broadcast %and3A_90 : i32 to vector<1024x1024xi32>
    %and3A_92 = arith.andi %bitcast_convert_type3A_88, %and3A_91 : vector<1024x1024xi32>
    %or3A_93 = arith.ori %and3A_92, %iota3A_89 : vector<1024x1024xi32>
    %bitcast_convert_type3A_94 = tpu.bitcast %or3A_93 : vector<1024x1024xi32> -> vector<1024x1024xf32>
    %reduce_min3A_95 = arith.constant dense<0x7F800000> : vector<1024xf32>
    %reduce_min3A_96 = vector.multi_reduction <minimumf>, %bitcast_convert_type3A_94, %reduce_min3A_95 [1] : vector<1024x1024xf32> to vector<1024xf32>
    %lt3A_97 = arith.cmpf olt, %reduce_min3A_96, %select_n3A_81 : vector<1024xf32>
    %select_n3A_98 = arith.select %lt3A_97, %reduce_min3A_96, %select_n3A_81 : vector<1024xi1>, vector<1024xf32>
    %jit3A_99 = arith.constant 3 : i32
    %broadcast_in_dim3A_100 = vector.broadcast %jit3A_99 : i32 to vector<1024xi32>
    %select_n3A_101 = arith.select %lt3A_97, %broadcast_in_dim3A_100, %select_n3A_84 : vector<1024xi1>, vector<1024xi32>
    %slice3A_102 = vector.extract_strided_slice %select_n3A_11 {offsets = [0, 4096], sizes = [8, 1024], strides = [1, 1]} : vector<8x8192xf32> to vector<8x1024xf32>
    %dot_general3A_103 = arith.constant dense<0.000000e+00> : vector<1024x1024xf32>
    %dot_general3A_104 = tpu.matmul %transpose3A, %slice3A_102, %dot_general3A_103 {dimension_numbers = #tpu.dot_dimension_numbers<[1], [0], [0], [1], [0, 0, 1, 1], [], []>, transpose_lhs_hint = false} : vector<1024x8xf32>, vector<8x1024xf32>, vector<1024x1024xf32> -> vector<1024x1024xf32>
    %bitcast_convert_type3A_105 = tpu.bitcast %dot_general3A_104 : vector<1024x1024xf32> -> vector<1024x1024xi32>
    %iota3A_106 = tpu.iota {dimensions = array<i32: 1>} : vector<1024x1024xi32>
    %and3A_107 = arith.constant -1024 : i32
    %and3A_108 = vector.broadcast %and3A_107 : i32 to vector<1024x1024xi32>
    %and3A_109 = arith.andi %bitcast_convert_type3A_105, %and3A_108 : vector<1024x1024xi32>
    %or3A_110 = arith.ori %and3A_109, %iota3A_106 : vector<1024x1024xi32>
    %bitcast_convert_type3A_111 = tpu.bitcast %or3A_110 : vector<1024x1024xi32> -> vector<1024x1024xf32>
    %reduce_min3A_112 = arith.constant dense<0x7F800000> : vector<1024xf32>
    %reduce_min3A_113 = vector.multi_reduction <minimumf>, %bitcast_convert_type3A_111, %reduce_min3A_112 [1] : vector<1024x1024xf32> to vector<1024xf32>
    %lt3A_114 = arith.cmpf olt, %reduce_min3A_113, %select_n3A_98 : vector<1024xf32>
    %select_n3A_115 = arith.select %lt3A_114, %reduce_min3A_113, %select_n3A_98 : vector<1024xi1>, vector<1024xf32>
    %jit3A_116 = arith.constant 4 : i32
    %broadcast_in_dim3A_117 = vector.broadcast %jit3A_116 : i32 to vector<1024xi32>
    %select_n3A_118 = arith.select %lt3A_114, %broadcast_in_dim3A_117, %select_n3A_101 : vector<1024xi1>, vector<1024xi32>
    %slice3A_119 = vector.extract_strided_slice %select_n3A_11 {offsets = [0, 5120], sizes = [8, 1024], strides = [1, 1]} : vector<8x8192xf32> to vector<8x1024xf32>
    %dot_general3A_120 = arith.constant dense<0.000000e+00> : vector<1024x1024xf32>
    %dot_general3A_121 = tpu.matmul %transpose3A, %slice3A_119, %dot_general3A_120 {dimension_numbers = #tpu.dot_dimension_numbers<[1], [0], [0], [1], [0, 0, 1, 1], [], []>, transpose_lhs_hint = false} : vector<1024x8xf32>, vector<8x1024xf32>, vector<1024x1024xf32> -> vector<1024x1024xf32>
    %bitcast_convert_type3A_122 = tpu.bitcast %dot_general3A_121 : vector<1024x1024xf32> -> vector<1024x1024xi32>
    %iota3A_123 = tpu.iota {dimensions = array<i32: 1>} : vector<1024x1024xi32>
    %and3A_124 = arith.constant -1024 : i32
    %and3A_125 = vector.broadcast %and3A_124 : i32 to vector<1024x1024xi32>
    %and3A_126 = arith.andi %bitcast_convert_type3A_122, %and3A_125 : vector<1024x1024xi32>
    %or3A_127 = arith.ori %and3A_126, %iota3A_123 : vector<1024x1024xi32>
    %bitcast_convert_type3A_128 = tpu.bitcast %or3A_127 : vector<1024x1024xi32> -> vector<1024x1024xf32>
    %reduce_min3A_129 = arith.constant dense<0x7F800000> : vector<1024xf32>
    %reduce_min3A_130 = vector.multi_reduction <minimumf>, %bitcast_convert_type3A_128, %reduce_min3A_129 [1] : vector<1024x1024xf32> to vector<1024xf32>
    %lt3A_131 = arith.cmpf olt, %reduce_min3A_130, %select_n3A_115 : vector<1024xf32>
    %select_n3A_132 = arith.select %lt3A_131, %reduce_min3A_130, %select_n3A_115 : vector<1024xi1>, vector<1024xf32>
    %jit3A_133 = arith.constant 5 : i32
    %broadcast_in_dim3A_134 = vector.broadcast %jit3A_133 : i32 to vector<1024xi32>
    %select_n3A_135 = arith.select %lt3A_131, %broadcast_in_dim3A_134, %select_n3A_118 : vector<1024xi1>, vector<1024xi32>
    %slice3A_136 = vector.extract_strided_slice %select_n3A_11 {offsets = [0, 6144], sizes = [8, 1024], strides = [1, 1]} : vector<8x8192xf32> to vector<8x1024xf32>
    %dot_general3A_137 = arith.constant dense<0.000000e+00> : vector<1024x1024xf32>
    %dot_general3A_138 = tpu.matmul %transpose3A, %slice3A_136, %dot_general3A_137 {dimension_numbers = #tpu.dot_dimension_numbers<[1], [0], [0], [1], [0, 0, 1, 1], [], []>, transpose_lhs_hint = false} : vector<1024x8xf32>, vector<8x1024xf32>, vector<1024x1024xf32> -> vector<1024x1024xf32>
    %bitcast_convert_type3A_139 = tpu.bitcast %dot_general3A_138 : vector<1024x1024xf32> -> vector<1024x1024xi32>
    %iota3A_140 = tpu.iota {dimensions = array<i32: 1>} : vector<1024x1024xi32>
    %and3A_141 = arith.constant -1024 : i32
    %and3A_142 = vector.broadcast %and3A_141 : i32 to vector<1024x1024xi32>
    %and3A_143 = arith.andi %bitcast_convert_type3A_139, %and3A_142 : vector<1024x1024xi32>
    %or3A_144 = arith.ori %and3A_143, %iota3A_140 : vector<1024x1024xi32>
    %bitcast_convert_type3A_145 = tpu.bitcast %or3A_144 : vector<1024x1024xi32> -> vector<1024x1024xf32>
    %reduce_min3A_146 = arith.constant dense<0x7F800000> : vector<1024xf32>
    %reduce_min3A_147 = vector.multi_reduction <minimumf>, %bitcast_convert_type3A_145, %reduce_min3A_146 [1] : vector<1024x1024xf32> to vector<1024xf32>
    %lt3A_148 = arith.cmpf olt, %reduce_min3A_147, %select_n3A_132 : vector<1024xf32>
    %select_n3A_149 = arith.select %lt3A_148, %reduce_min3A_147, %select_n3A_132 : vector<1024xi1>, vector<1024xf32>
    %jit3A_150 = arith.constant 6 : i32
    %broadcast_in_dim3A_151 = vector.broadcast %jit3A_150 : i32 to vector<1024xi32>
    %select_n3A_152 = arith.select %lt3A_148, %broadcast_in_dim3A_151, %select_n3A_135 : vector<1024xi1>, vector<1024xi32>
    %slice3A_153 = vector.extract_strided_slice %select_n3A_11 {offsets = [0, 7168], sizes = [8, 1024], strides = [1, 1]} : vector<8x8192xf32> to vector<8x1024xf32>
    %dot_general3A_154 = arith.constant dense<0.000000e+00> : vector<1024x1024xf32>
    %dot_general3A_155 = tpu.matmul %transpose3A, %slice3A_153, %dot_general3A_154 {dimension_numbers = #tpu.dot_dimension_numbers<[1], [0], [0], [1], [0, 0, 1, 1], [], []>, transpose_lhs_hint = false} : vector<1024x8xf32>, vector<8x1024xf32>, vector<1024x1024xf32> -> vector<1024x1024xf32>
    %bitcast_convert_type3A_156 = tpu.bitcast %dot_general3A_155 : vector<1024x1024xf32> -> vector<1024x1024xi32>
    %iota3A_157 = tpu.iota {dimensions = array<i32: 1>} : vector<1024x1024xi32>
    %and3A_158 = arith.constant -1024 : i32
    %and3A_159 = vector.broadcast %and3A_158 : i32 to vector<1024x1024xi32>
    %and3A_160 = arith.andi %bitcast_convert_type3A_156, %and3A_159 : vector<1024x1024xi32>
    %or3A_161 = arith.ori %and3A_160, %iota3A_157 : vector<1024x1024xi32>
    %bitcast_convert_type3A_162 = tpu.bitcast %or3A_161 : vector<1024x1024xi32> -> vector<1024x1024xf32>
    %reduce_min3A_163 = arith.constant dense<0x7F800000> : vector<1024xf32>
    %reduce_min3A_164 = vector.multi_reduction <minimumf>, %bitcast_convert_type3A_162, %reduce_min3A_163 [1] : vector<1024x1024xf32> to vector<1024xf32>
    %lt3A_165 = arith.cmpf olt, %reduce_min3A_164, %select_n3A_149 : vector<1024xf32>
    %select_n3A_166 = arith.select %lt3A_165, %reduce_min3A_164, %select_n3A_149 : vector<1024xi1>, vector<1024xf32>
    %jit3A_167 = arith.constant 7 : i32
    %broadcast_in_dim3A_168 = vector.broadcast %jit3A_167 : i32 to vector<1024xi32>
    %select_n3A_169 = arith.select %lt3A_165, %broadcast_in_dim3A_168, %select_n3A_152 : vector<1024xi1>, vector<1024xi32>
    %bitcast_convert_type3A_170 = tpu.bitcast %select_n3A_166 : vector<1024xf32> -> vector<1024xi32>
    %and3A_171 = arith.constant 1023 : i32
    %and3A_172 = vector.broadcast %and3A_171 : i32 to vector<1024xi32>
    %and3A_173 = arith.andi %bitcast_convert_type3A_170, %and3A_172 : vector<1024xi32>
    %mul3A_174 = arith.constant 1024 : i32
    %mul3A_175 = vector.broadcast %mul3A_174 : i32 to vector<1024xi32>
    %mul3A_176 = arith.muli %select_n3A_169, %mul3A_175 : vector<1024xi32>
    %add3A = arith.addi %mul3A_176, %and3A_173 : vector<1024xi32>
    %swap3A = arith.constant 0 : index
    %swap3A_177 = vector.load %arg3[%swap3A] : memref<1024xi32, #tpu.memory_space<vmem>>, vector<1024xi32>
    tpu.vector_store %arg3[%swap3A], %add3A {strides = array<i32>} : memref<1024xi32, #tpu.memory_space<vmem>>, vector<1024xi32>,
    return
  }
  func.func @transform_0(%arg0: i32) -> (i32, i32) {
    %add3A = arith.constant 0 : i32
    %add3A_0 = arith.addi %arg0, %add3A : i32
    %c0_i32 = arith.constant 0 : i32
    %c0_i32_1 = arith.constant 0 : i32
    return %c0_i32, %add3A_0 : i32, i32
  }
  func.func @transform_1(%arg0: i32) -> (i32, i32) {
    %c0_i32 = arith.constant 0 : i32
    %c0_i32_0 = arith.constant 0 : i32
    %c0_i32_1 = arith.constant 0 : i32
    return %c0_i32, %c0_i32_0 : i32, i32
  }
  func.func @transform_2(%arg0: i32) -> i32 {
    %c0_i32 = arith.constant 0 : i32
    return %arg0 : i32
  }
}

module attributes {stable_mosaic.version = 14 : i64} {
  func.func @_knn_body(%arg0: i32, %arg1: memref<3x1024xf32, #tpu.memory_space<vmem>>, %arg2: memref<8x8192xf32, #tpu.memory_space<vmem>>, %arg3: memref<1024xi32, #tpu.memory_space<vmem>>) attributes {dimension_semantics = [#tpu.dimension_semantics<arbitrary>], iteration_bounds = array<i64: 4>, scalar_prefetch = 0 : i64, scratch_operands = 0 : i64, tpu.core_type = #tpu.core_type<tc>, window_params = [{transform_indices = @transform_0, window_bounds = array<i64: 3, 1024>}, {pipeline_mode = #tpu.pipeline_mode<synchronous>, transform_indices = @transform_1, window_bounds = array<i64: 8, 8192>}, {transform_indices = @transform_2, window_bounds = array<i64: 1024>}]} {
    %get3A = arith.constant 0 : index
    %get3A_0 = arith.constant 0 : index
    %get3A_1 = vector.load %arg2[%get3A, %get3A_0] : memref<8x8192xf32, #tpu.memory_space<vmem>>, vector<8x8192xf32>
    %mul3A = arith.mulf %get3A_1, %get3A_1 : vector<8x8192xf32>
    %reduce_sum3A = arith.constant dense<0.000000e+00> : vector<8192xf32>
    %reduce_sum3A_2 = vector.multi_reduction <add>, %mul3A, %reduce_sum3A [0] : vector<8x8192xf32> to vector<8192xf32>
    %broadcast_in_dim3A = vector.shape_cast %reduce_sum3A_2 : vector<8192xf32> to vector<1x8192xf32>
    %iota3A = tpu.iota {dimensions = array<i32: 0>} : vector<8x8192xi32>
    %eq3A = arith.constant 3 : i32
    %eq3A_3 = vector.broadcast %eq3A : i32 to vector<8x8192xi32>
    %eq3A_4 = arith.cmpi eq, %iota3A, %eq3A_3 : vector<8x8192xi32>
    %eq3A_5 = arith.constant 4 : i32
    %eq3A_6 = vector.broadcast %eq3A_5 : i32 to vector<8x8192xi32>
    %eq3A_7 = arith.cmpi eq, %iota3A, %eq3A_6 : vector<8x8192xi32>
    %jit3A = arith.constant 1.000000e+00 : f32
    %broadcast_in_dim3A_8 = vector.broadcast %jit3A : f32 to vector<8x8192xf32>
    %select_n3A = arith.select %eq3A_7, %broadcast_in_dim3A_8, %get3A_1 : vector<8x8192xi1>, vector<8x8192xf32>
    %broadcast_in_dim3A_9 = vector.shape_cast %broadcast_in_dim3A : vector<1x8192xf32> to vector<1x8192xf32>
    %broadcast_in_dim3A_10 = vector.broadcast %broadcast_in_dim3A_9 : vector<1x8192xf32> to vector<8x8192xf32>
    %select_n3A_11 = arith.select %eq3A_4, %broadcast_in_dim3A_10, %select_n3A : vector<8x8192xi1>, vector<8x8192xf32>
    %get3A_12 = arith.constant 0 : index
    %get3A_13 = arith.constant 0 : index
    %get3A_14 = vector.load %arg1[%get3A_12, %get3A_13] : memref<3x1024xf32, #tpu.memory_space<vmem>>, vector<3x1024xf32>
    %jit3A_15 = arith.constant 0 : i32
    %convert_element_type3A = arith.sitofp %jit3A_15 : i32 to f32
    %pad3A = vector.broadcast %convert_element_type3A : f32 to vector<5x1024xf32>
    %pad3A_16 = tpu.concatenate %get3A_14, %pad3A in 0 : vector<3x1024xf32>, vector<5x1024xf32> -> vector<8x1024xf32>
    %mul3A_17 = arith.mulf %pad3A_16, %pad3A_16 : vector<8x1024xf32>
    %reduce_sum3A_18 = arith.constant dense<0.000000e+00> : vector<1024xf32>
    %reduce_sum3A_19 = vector.multi_reduction <add>, %mul3A_17, %reduce_sum3A_18 [0] : vector<8x1024xf32> to vector<1024xf32>
    %broadcast_in_dim3A_20 = vector.shape_cast %reduce_sum3A_19 : vector<1024xf32> to vector<1x1024xf32>
    %iota3A_21 = tpu.iota {dimensions = array<i32: 0>} : vector<8x1024xi32>
    %eq3A_22 = arith.constant 3 : i32
    %eq3A_23 = vector.broadcast %eq3A_22 : i32 to vector<8x1024xi32>
    %eq3A_24 = arith.cmpi eq, %iota3A_21, %eq3A_23 : vector<8x1024xi32>
    %eq3A_25 = arith.constant 4 : i32
    %eq3A_26 = vector.broadcast %eq3A_25 : i32 to vector<8x1024xi32>
    %eq3A_27 = arith.cmpi eq, %iota3A_21, %eq3A_26 : vector<8x1024xi32>
    %mul3A_28 = arith.constant -2.000000e+00 : f32
    %mul3A_29 = vector.broadcast %mul3A_28 : f32 to vector<8x1024xf32>
    %mul3A_30 = arith.mulf %pad3A_16, %mul3A_29 : vector<8x1024xf32>
    %broadcast_in_dim3A_31 = vector.shape_cast %broadcast_in_dim3A_20 : vector<1x1024xf32> to vector<1x1024xf32>
    %broadcast_in_dim3A_32 = vector.broadcast %broadcast_in_dim3A_31 : vector<1x1024xf32> to vector<8x1024xf32>
    %select_n3A_33 = arith.select %eq3A_27, %broadcast_in_dim3A_32, %mul3A_30 : vector<8x1024xi1>, vector<8x1024xf32>
    %jit3A_34 = arith.constant 1.000000e+00 : f32
    %broadcast_in_dim3A_35 = vector.broadcast %jit3A_34 : f32 to vector<8x1024xf32>
    %select_n3A_36 = arith.select %eq3A_24, %broadcast_in_dim3A_35, %select_n3A_33 : vector<8x1024xi1>, vector<8x1024xf32>
    %transpose3A = tpu.transpose %select_n3A_36, [1, 0] : vector<8x1024xf32> -> vector<1024x8xf32>
    %broadcast_in_dim3A_37 = arith.constant 0x7F800000 : f32
    %broadcast_in_dim3A_38 = vector.broadcast %broadcast_in_dim3A_37 : f32 to vector<1024xf32>
    %broadcast_in_dim3A_39 = arith.constant 0 : i32
    %broadcast_in_dim3A_40 = vector.broadcast %broadcast_in_dim3A_39 : i32 to vector<1024xi32>
    %slice3A = vector.extract_strided_slice %select_n3A_11 {offsets = [0, 0], sizes = [8, 1024], strides = [1, 1]} : vector<8x8192xf32> to vector<8x1024xf32>
    %dot_general3A = arith.constant dense<0.000000e+00> : vector<1024x1024xf32>
    %dot_general3A_41 = tpu.matmul %transpose3A, %slice3A, %dot_general3A {dimension_numbers = #tpu.dot_dimension_numbers<[1], [0], [0], [1], [0, 0, 1, 1], [], []>, transpose_lhs_hint = false} : vector<1024x8xf32>, vector<8x1024xf32>, vector<1024x1024xf32> -> vector<1024x1024xf32>
    %bitcast_convert_type3A = tpu.bitcast %dot_general3A_41 : vector<1024x1024xf32> -> vector<1024x1024xi32>
    %iota3A_42 = tpu.iota {dimensions = array<i32: 1>} : vector<1024x1024xi32>
    %and3A = arith.constant -1024 : i32
    %and3A_43 = vector.broadcast %and3A : i32 to vector<1024x1024xi32>
    %and3A_44 = arith.andi %bitcast_convert_type3A, %and3A_43 : vector<1024x1024xi32>
    %or3A = arith.ori %and3A_44, %iota3A_42 : vector<1024x1024xi32>
    %bitcast_convert_type3A_45 = tpu.bitcast %or3A : vector<1024x1024xi32> -> vector<1024x1024xf32>
    %reduce_min3A = arith.constant dense<0x7F800000> : vector<1024xf32>
    %reduce_min3A_46 = vector.multi_reduction <minimumf>, %bitcast_convert_type3A_45, %reduce_min3A [1] : vector<1024x1024xf32> to vector<1024xf32>
    %lt3A = arith.cmpf olt, %reduce_min3A_46, %broadcast_in_dim3A_38 : vector<1024xf32>
    %select_n3A_47 = arith.select %lt3A, %reduce_min3A_46, %broadcast_in_dim3A_38 : vector<1024xi1>, vector<1024xf32>
    %jit3A_48 = arith.constant 0 : i32
    %broadcast_in_dim3A_49 = vector.broadcast %jit3A_48 : i32 to vector<1024xi32>
    %select_n3A_50 = arith.select %lt3A, %broadcast_in_dim3A_49, %broadcast_in_dim3A_40 : vector<1024xi1>, vector<1024xi32>
    %slice3A_51 = vector.extract_strided_slice %select_n3A_11 {offsets = [0, 1024], sizes = [8, 1024], strides = [1, 1]} : vector<8x8192xf32> to vector<8x1024xf32>
    %dot_general3A_52 = arith.constant dense<0.000000e+00> : vector<1024x1024xf32>
    %dot_general3A_53 = tpu.matmul %transpose3A, %slice3A_51, %dot_general3A_52 {dimension_numbers = #tpu.dot_dimension_numbers<[1], [0], [0], [1], [0, 0, 1, 1], [], []>, transpose_lhs_hint = false} : vector<1024x8xf32>, vector<8x1024xf32>, vector<1024x1024xf32> -> vector<1024x1024xf32>
    %bitcast_convert_type3A_54 = tpu.bitcast %dot_general3A_53 : vector<1024x1024xf32> -> vector<1024x1024xi32>
    %iota3A_55 = tpu.iota {dimensions = array<i32: 1>} : vector<1024x1024xi32>
    %and3A_56 = arith.constant -1024 : i32
    %and3A_57 = vector.broadcast %and3A_56 : i32 to vector<1024x1024xi32>
    %and3A_58 = arith.andi %bitcast_convert_type3A_54, %and3A_57 : vector<1024x1024xi32>
    %or3A_59 = arith.ori %and3A_58, %iota3A_55 : vector<1024x1024xi32>
    %bitcast_convert_type3A_60 = tpu.bitcast %or3A_59 : vector<1024x1024xi32> -> vector<1024x1024xf32>
    %reduce_min3A_61 = arith.constant dense<0x7F800000> : vector<1024xf32>
    %reduce_min3A_62 = vector.multi_reduction <minimumf>, %bitcast_convert_type3A_60, %reduce_min3A_61 [1] : vector<1024x1024xf32> to vector<1024xf32>
    %lt3A_63 = arith.cmpf olt, %reduce_min3A_62, %select_n3A_47 : vector<1024xf32>
    %select_n3A_64 = arith.select %lt3A_63, %reduce_min3A_62, %select_n3A_47 : vector<1024xi1>, vector<1024xf32>
    %jit3A_65 = arith.constant 1 : i32
    %broadcast_in_dim3A_66 = vector.broadcast %jit3A_65 : i32 to vector<1024xi32>
    %select_n3A_67 = arith.select %lt3A_63, %broadcast_in_dim3A_66, %select_n3A_50 : vector<1024xi1>, vector<1024xi32>
    %slice3A_68 = vector.extract_strided_slice %select_n3A_11 {offsets = [0, 2048], sizes = [8, 1024], strides = [1, 1]} : vector<8x8192xf32> to vector<8x1024xf32>
    %dot_general3A_69 = arith.constant dense<0.000000e+00> : vector<1024x1024xf32>
    %dot_general3A_70 = tpu.matmul %transpose3A, %slice3A_68, %dot_general3A_69 {dimension_numbers = #tpu.dot_dimension_numbers<[1], [0], [0], [1], [0, 0, 1, 1], [], []>, transpose_lhs_hint = false} : vector<1024x8xf32>, vector<8x1024xf32>, vector<1024x1024xf32> -> vector<1024x1024xf32>
    %bitcast_convert_type3A_71 = tpu.bitcast %dot_general3A_70 : vector<1024x1024xf32> -> vector<1024x1024xi32>
    %iota3A_72 = tpu.iota {dimensions = array<i32: 1>} : vector<1024x1024xi32>
    %and3A_73 = arith.constant -1024 : i32
    %and3A_74 = vector.broadcast %and3A_73 : i32 to vector<1024x1024xi32>
    %and3A_75 = arith.andi %bitcast_convert_type3A_71, %and3A_74 : vector<1024x1024xi32>
    %or3A_76 = arith.ori %and3A_75, %iota3A_72 : vector<1024x1024xi32>
    %bitcast_convert_type3A_77 = tpu.bitcast %or3A_76 : vector<1024x1024xi32> -> vector<1024x1024xf32>
    %reduce_min3A_78 = arith.constant dense<0x7F800000> : vector<1024xf32>
    %reduce_min3A_79 = vector.multi_reduction <minimumf>, %bitcast_convert_type3A_77, %reduce_min3A_78 [1] : vector<1024x1024xf32> to vector<1024xf32>
    %lt3A_80 = arith.cmpf olt, %reduce_min3A_79, %select_n3A_64 : vector<1024xf32>
    %select_n3A_81 = arith.select %lt3A_80, %reduce_min3A_79, %select_n3A_64 : vector<1024xi1>, vector<1024xf32>
    %jit3A_82 = arith.constant 2 : i32
    %broadcast_in_dim3A_83 = vector.broadcast %jit3A_82 : i32 to vector<1024xi32>
    %select_n3A_84 = arith.select %lt3A_80, %broadcast_in_dim3A_83, %select_n3A_67 : vector<1024xi1>, vector<1024xi32>
    %slice3A_85 = vector.extract_strided_slice %select_n3A_11 {offsets = [0, 3072], sizes = [8, 1024], strides = [1, 1]} : vector<8x8192xf32> to vector<8x1024xf32>
    %dot_general3A_86 = arith.constant dense<0.000000e+00> : vector<1024x1024xf32>
    %dot_general3A_87 = tpu.matmul %transpose3A, %slice3A_85, %dot_general3A_86 {dimension_numbers = #tpu.dot_dimension_numbers<[1], [0], [0], [1], [0, 0, 1, 1], [], []>, transpose_lhs_hint = false} : vector<1024x8xf32>, vector<8x1024xf32>, vector<1024x1024xf32> -> vector<1024x1024xf32>
    %bitcast_convert_type3A_88 = tpu.bitcast %dot_general3A_87 : vector<1024x1024xf32> -> vector<1024x1024xi32>
    %iota3A_89 = tpu.iota {dimensions = array<i32: 1>} : vector<1024x1024xi32>
    %and3A_90 = arith.constant -1024 : i32
    %and3A_91 = vector.broadcast %and3A_90 : i32 to vector<1024x1024xi32>
    %and3A_92 = arith.andi %bitcast_convert_type3A_88, %and3A_91 : vector<1024x1024xi32>
    %or3A_93 = arith.ori %and3A_92, %iota3A_89 : vector<1024x1024xi32>
    %bitcast_convert_type3A_94 = tpu.bitcast %or3A_93 : vector<1024x1024xi32> -> vector<1024x1024xf32>
    %reduce_min3A_95 = arith.constant dense<0x7F800000> : vector<1024xf32>
    %reduce_min3A_96 = vector.multi_reduction <minimumf>, %bitcast_convert_type3A_94, %reduce_min3A_95 [1] : vector<1024x1024xf32> to vector<1024xf32>
    %lt3A_97 = arith.cmpf olt, %reduce_min3A_96, %select_n3A_81 : vector<1024xf32>
    %select_n3A_98 = arith.select %lt3A_97, %reduce_min3A_96, %select_n3A_81 : vector<1024xi1>, vector<1024xf32>
    %jit3A_99 = arith.constant 3 : i32
    %broadcast_in_dim3A_100 = vector.broadcast %jit3A_99 : i32 to vector<1024xi32>
    %select_n3A_101 = arith.select %lt3A_97, %broadcast_in_dim3A_100, %select_n3A_84 : vector<1024xi1>, vector<1024xi32>
    %slice3A_102 = vector.extract_strided_slice %select_n3A_11 {offsets = [0, 4096], sizes = [8, 1024], strides = [1, 1]} : vector<8x8192xf32> to vector<8x1024xf32>
    %dot_general3A_103 = arith.constant dense<0.000000e+00> : vector<1024x1024xf32>
    %dot_general3A_104 = tpu.matmul %transpose3A, %slice3A_102, %dot_general3A_103 {dimension_numbers = #tpu.dot_dimension_numbers<[1], [0], [0], [1], [0, 0, 1, 1], [], []>, transpose_lhs_hint = false} : vector<1024x8xf32>, vector<8x1024xf32>, vector<1024x1024xf32> -> vector<1024x1024xf32>
    %bitcast_convert_type3A_105 = tpu.bitcast %dot_general3A_104 : vector<1024x1024xf32> -> vector<1024x1024xi32>
    %iota3A_106 = tpu.iota {dimensions = array<i32: 1>} : vector<1024x1024xi32>
    %and3A_107 = arith.constant -1024 : i32
    %and3A_108 = vector.broadcast %and3A_107 : i32 to vector<1024x1024xi32>
    %and3A_109 = arith.andi %bitcast_convert_type3A_105, %and3A_108 : vector<1024x1024xi32>
    %or3A_110 = arith.ori %and3A_109, %iota3A_106 : vector<1024x1024xi32>
    %bitcast_convert_type3A_111 = tpu.bitcast %or3A_110 : vector<1024x1024xi32> -> vector<1024x1024xf32>
    %reduce_min3A_112 = arith.constant dense<0x7F800000> : vector<1024xf32>
    %reduce_min3A_113 = vector.multi_reduction <minimumf>, %bitcast_convert_type3A_111, %reduce_min3A_112 [1] : vector<1024x1024xf32> to vector<1024xf32>
    %lt3A_114 = arith.cmpf olt, %reduce_min3A_113, %select_n3A_98 : vector<1024xf32>
    %select_n3A_115 = arith.select %lt3A_114, %reduce_min3A_113, %select_n3A_98 : vector<1024xi1>, vector<1024xf32>
    %jit3A_116 = arith.constant 4 : i32
    %broadcast_in_dim3A_117 = vector.broadcast %jit3A_116 : i32 to vector<1024xi32>
    %select_n3A_118 = arith.select %lt3A_114, %broadcast_in_dim3A_117, %select_n3A_101 : vector<1024xi1>, vector<1024xi32>
    %slice3A_119 = vector.extract_strided_slice %select_n3A_11 {offsets = [0, 5120], sizes = [8, 1024], strides = [1, 1]} : vector<8x8192xf32> to vector<8x1024xf32>
    %dot_general3A_120 = arith.constant dense<0.000000e+00> : vector<1024x1024xf32>
    %dot_general3A_121 = tpu.matmul %transpose3A, %slice3A_119, %dot_general3A_120 {dimension_numbers = #tpu.dot_dimension_numbers<[1], [0], [0], [1], [0, 0, 1, 1], [], []>, transpose_lhs_hint = false} : vector<1024x8xf32>, vector<8x1024xf32>, vector<1024x1024xf32> -> vector<1024x1024xf32>
    %bitcast_convert_type3A_122 = tpu.bitcast %dot_general3A_121 : vector<1024x1024xf32> -> vector<1024x1024xi32>
    %iota3A_123 = tpu.iota {dimensions = array<i32: 1>} : vector<1024x1024xi32>
    %and3A_124 = arith.constant -1024 : i32
    %and3A_125 = vector.broadcast %and3A_124 : i32 to vector<1024x1024xi32>
    %and3A_126 = arith.andi %bitcast_convert_type3A_122, %and3A_125 : vector<1024x1024xi32>
    %or3A_127 = arith.ori %and3A_126, %iota3A_123 : vector<1024x1024xi32>
    %bitcast_convert_type3A_128 = tpu.bitcast %or3A_127 : vector<1024x1024xi32> -> vector<1024x1024xf32>
    %reduce_min3A_129 = arith.constant dense<0x7F800000> : vector<1024xf32>
    %reduce_min3A_130 = vector.multi_reduction <minimumf>, %bitcast_convert_type3A_128, %reduce_min3A_129 [1] : vector<1024x1024xf32> to vector<1024xf32>
    %lt3A_131 = arith.cmpf olt, %reduce_min3A_130, %select_n3A_115 : vector<1024xf32>
    %select_n3A_132 = arith.select %lt3A_131, %reduce_min3A_130, %select_n3A_115 : vector<1024xi1>, vector<1024xf32>
    %jit3A_133 = arith.constant 5 : i32
    %broadcast_in_dim3A_134 = vector.broadcast %jit3A_133 : i32 to vector<1024xi32>
    %select_n3A_135 = arith.select %lt3A_131, %broadcast_in_dim3A_134, %select_n3A_118 : vector<1024xi1>, vector<1024xi32>
    %slice3A_136 = vector.extract_strided_slice %select_n3A_11 {offsets = [0, 6144], sizes = [8, 1024], strides = [1, 1]} : vector<8x8192xf32> to vector<8x1024xf32>
    %dot_general3A_137 = arith.constant dense<0.000000e+00> : vector<1024x1024xf32>
    %dot_general3A_138 = tpu.matmul %transpose3A, %slice3A_136, %dot_general3A_137 {dimension_numbers = #tpu.dot_dimension_numbers<[1], [0], [0], [1], [0, 0, 1, 1], [], []>, transpose_lhs_hint = false} : vector<1024x8xf32>, vector<8x1024xf32>, vector<1024x1024xf32> -> vector<1024x1024xf32>
    %bitcast_convert_type3A_139 = tpu.bitcast %dot_general3A_138 : vector<1024x1024xf32> -> vector<1024x1024xi32>
    %iota3A_140 = tpu.iota {dimensions = array<i32: 1>} : vector<1024x1024xi32>
    %and3A_141 = arith.constant -1024 : i32
    %and3A_142 = vector.broadcast %and3A_141 : i32 to vector<1024x1024xi32>
    %and3A_143 = arith.andi %bitcast_convert_type3A_139, %and3A_142 : vector<1024x1024xi32>
    %or3A_144 = arith.ori %and3A_143, %iota3A_140 : vector<1024x1024xi32>
    %bitcast_convert_type3A_145 = tpu.bitcast %or3A_144 : vector<1024x1024xi32> -> vector<1024x1024xf32>
    %reduce_min3A_146 = arith.constant dense<0x7F800000> : vector<1024xf32>
    %reduce_min3A_147 = vector.multi_reduction <minimumf>, %bitcast_convert_type3A_145, %reduce_min3A_146 [1] : vector<1024x1024xf32> to vector<1024xf32>
    %lt3A_148 = arith.cmpf olt, %reduce_min3A_147, %select_n3A_132 : vector<1024xf32>
    %select_n3A_149 = arith.select %lt3A_148, %reduce_min3A_147, %select_n3A_132 : vector<1024xi1>, vector<1024xf32>
    %jit3A_150 = arith.constant 6 : i32
    %broadcast_in_dim3A_151 = vector.broadcast %jit3A_150 : i32 to vector<1024xi32>
    %select_n3A_152 = arith.select %lt3A_148, %broadcast_in_dim3A_151, %select_n3A_135 : vector<1024xi1>, vector<1024xi32>
    %slice3A_153 = vector.extract_strided_slice %select_n3A_11 {offsets = [0, 7168], sizes = [8, 1024], strides = [1, 1]} : vector<8x8192xf32> to vector<8x1024xf32>
    %dot_general3A_154 = arith.constant dense<0.000000e+00> : vector<1024x1024xf32>
    %dot_general3A_155 = tpu.matmul %transpose3A, %slice3A_153, %dot_general3A_154 {dimension_numbers = #tpu.dot_dimension_numbers<[1], [0], [0], [1], [0, 0, 1, 1], [], []>, transpose_lhs_hint = false} : vector<1024x8xf32>, vector<8x1024xf32>, vector<1024x1024xf32> -> vector<1024x1024xf32>
    %bitcast_convert_type3A_156 = tpu.bitcast %dot_general3A_155 : vector<1024x1024xf32> -> vector<1024x1024xi32>
    %iota3A_157 = tpu.iota {dimensions = array<i32: 1>} : vector<1024x1024xi32>
    %and3A_158 = arith.constant -1024 : i32
    %and3A_159 = vector.broadcast %and3A_158 : i32 to vector<1024x1024xi32>
    %and3A_160 = arith.andi %bitcast_convert_type3A_156, %and3A_159 : vector<1024x1024xi32>
    %or3A_161 = arith.ori %and3A_160, %iota3A_157 : vector<1024x1024xi32>
    %bitcast_convert_type3A_162 = tpu.bitcast %or3A_161 : vector<1024x1024xi32> -> vector<1024x1024xf32>
    %reduce_min3A_163 = arith.constant dense<0x7F800000> : vector<1024xf32>
    %reduce_min3A_164 = vector.multi_reduction <minimumf>, %bitcast_convert_type3A_162, %reduce_min3A_163 [1] : vector<1024x1024xf32> to vector<1024xf32>
    %lt3A_165 = arith.cmpf olt, %reduce_min3A_164, %select_n3A_149 : vector<1024xf32>
    %select_n3A_166 = arith.select %lt3A_165, %reduce_min3A_164, %select_n3A_149 : vector<1024xi1>, vector<1024xf32>
    %jit3A_167 = arith.constant 7 : i32
    %broadcast_in_dim3A_168 = vector.broadcast %jit3A_167 : i32 to vector<1024xi32>
    %select_n3A_169 = arith.select %lt3A_165, %broadcast_in_dim3A_168, %select_n3A_152 : vector<1024xi1>, vector<1024xi32>
    %bitcast_convert_type3A_170 = tpu.bitcast %select_n3A_166 : vector<1024xf32> -> vector<1024xi32>
    %and3A_171 = arith.constant 1023 : i32
    %and3A_172 = vector.broadcast %and3A_171 : i32 to vector<1024xi32>
    %and3A_173 = arith.andi %bitcast_convert_type3A_170, %and3A_172 : vector<1024xi32>
    %mul3A_174 = arith.constant 1024 : i32
    %mul3A_175 = vector.broadcast %mul3A_174 : i32 to vector<1024xi32>
    %mul3A_176 = arith.muli %select_n3A_169, %mul3A_175 : vector<1024xi32>
    %add3A = arith.addi %mul3A_176, %and3A_173 : vector<1024xi32>
    %swap3A = arith.constant 0 : index
    %swap3A_177 = vector.load %arg3[%swap3A] : memref<1024xi32, #tpu.memory_space<vmem>>, vector<1024xi32>
    tpu.vector_store %arg3[%swap3A], %add3A {strides = array<i32>} : memref<1024xi32, #tpu.memory_space<vmem>>, vector<1024xi32>,
    return
  }
  func.func @transform_0(%arg0: i32) -> (i32, i32) {
    %add3A = arith.constant 4 : i32
    %add3A_0 = arith.addi %arg0, %add3A : i32
    %c0_i32 = arith.constant 0 : i32
    %c0_i32_1 = arith.constant 0 : i32
    return %c0_i32, %add3A_0 : i32, i32
  }
  func.func @transform_1(%arg0: i32) -> (i32, i32) {
    %c0_i32 = arith.constant 0 : i32
    %c0_i32_0 = arith.constant 0 : i32
    %c0_i32_1 = arith.constant 0 : i32
    return %c0_i32, %c0_i32_0 : i32, i32
  }
  func.func @transform_2(%arg0: i32) -> i32 {
    %c0_i32 = arith.constant 0 : i32
    return %arg0 : i32
  }
}

module attributes {stable_mosaic.version = 14 : i64} {
  func.func @_loss_body(%arg0: i32, %arg1: memref<22x1024xf32, #tpu.memory_space<vmem>>, %arg2: memref<1024x128xf32, #tpu.memory_space<vmem>>, %arg3: memref<64x1024xf32, #tpu.memory_space<vmem>>, %arg4: memref<1024x512xf32, #tpu.memory_space<vmem>>, %arg5: memref<32x64xf32, #tpu.memory_space<vmem>>, %arg6: memref<32x1xf32, #tpu.memory_space<vmem>>, %arg7: memref<512x32xf32, #tpu.memory_space<vmem>>, %arg8: memref<512xf32, #tpu.memory_space<vmem>>, %arg9: memref<2xf32, #tpu.memory_space<smem>>, %arg10: memref<2xf32, #tpu.memory_space<smem>>) attributes {dimension_semantics = [#tpu.dimension_semantics<arbitrary>], iteration_bounds = array<i64: 4>, scalar_prefetch = 0 : i64, scratch_operands = 1 : i64, tpu.core_type = #tpu.core_type<tc>, window_params = [{transform_indices = @transform_0, window_bounds = array<i64: 22, 1024>}, {transform_indices = @transform_1, window_bounds = array<i64: 1024, 128>}, {transform_indices = @transform_2, window_bounds = array<i64: 64, 1024>}, {transform_indices = @transform_3, window_bounds = array<i64: 1024, 512>}, {pipeline_mode = #tpu.pipeline_mode<synchronous>, transform_indices = @transform_4, window_bounds = array<i64: 32, 64>}, {pipeline_mode = #tpu.pipeline_mode<synchronous>, transform_indices = @transform_5, window_bounds = array<i64: 32, 1>}, {pipeline_mode = #tpu.pipeline_mode<synchronous>, transform_indices = @transform_6, window_bounds = array<i64: 512, 32>}, {pipeline_mode = #tpu.pipeline_mode<synchronous>, transform_indices = @transform_7, window_bounds = array<i64: 512>}, {transform_indices = @transform_8, window_bounds = array<i64: 2>}]} {
    %eq3A = arith.constant 0 : i32
    %eq3A_0 = arith.cmpi eq, %arg0, %eq3A : i32
    %convert_element_type3A = arith.extui %eq3A_0 : i1 to i32
    %cond3A = arith.constant 0 : i32
    %cond3A_1 = arith.cmpi ne, %convert_element_type3A, %cond3A : i32
    scf.if %cond3A_1 {
      %swap3A_118 = arith.constant 0.000000e+00 : f32
      %swap3A_119 = arith.constant 0 : index
      %swap3A_120 = memref.load %arg10[%swap3A_119] : memref<2xf32, #tpu.memory_space<smem>>
      memref.store %swap3A_118, %arg10[%swap3A_119] : memref<2xf32, #tpu.memory_space<smem>>
      %swap3A_121 = arith.constant 0.000000e+00 : f32
      %swap3A_122 = arith.constant 1 : index
      %swap3A_123 = memref.load %arg10[%swap3A_122] : memref<2xf32, #tpu.memory_space<smem>>
      memref.store %swap3A_121, %arg10[%swap3A_122] : memref<2xf32, #tpu.memory_space<smem>>
    } else {
    }
    %get3A = arith.constant 0 : index
    %get3A_2 = arith.constant 0 : index
    %get3A_3 = vector.load %arg1[%get3A, %get3A_2] : memref<22x1024xf32, #tpu.memory_space<vmem>>, vector<22x1024xf32>
    %mul3A = arith.constant 5.000000e-01 : f32
    %mul3A_4 = vector.broadcast %mul3A : f32 to vector<22x1024xf32>
    %mul3A_5 = arith.mulf %get3A_3, %mul3A_4 : vector<22x1024xf32>
    %reduce_max3A = arith.constant dense<0xFF800000> : vector<1024xf32>
    %reduce_max3A_6 = vector.multi_reduction <maximumf>, %mul3A_5, %reduce_max3A [0] : vector<22x1024xf32> to vector<1024xf32>
    %broadcast_in_dim3A = vector.shape_cast %reduce_max3A_6 : vector<1024xf32> to vector<1x1024xf32>
    %sub3A = vector.broadcast %broadcast_in_dim3A : vector<1x1024xf32> to vector<22x1024xf32>
    %sub3A_7 = arith.subf %mul3A_5, %sub3A : vector<22x1024xf32>
    %exp3A = math.exp %sub3A_7 : vector<22x1024xf32>
    %reduce_sum3A = arith.constant dense<0.000000e+00> : vector<1024xf32>
    %reduce_sum3A_8 = vector.multi_reduction <add>, %exp3A, %reduce_sum3A [0] : vector<22x1024xf32> to vector<1024xf32>
    %broadcast_in_dim3A_9 = vector.shape_cast %reduce_sum3A_8 : vector<1024xf32> to vector<1x1024xf32>
    %sub3A_10 = vector.broadcast %broadcast_in_dim3A : vector<1x1024xf32> to vector<22x1024xf32>
    %sub3A_11 = arith.subf %mul3A_5, %sub3A_10 : vector<22x1024xf32>
    %log3A = math.log %broadcast_in_dim3A_9 : vector<1x1024xf32>
    %sub3A_12 = vector.broadcast %log3A : vector<1x1024xf32> to vector<22x1024xf32>
    %sub3A_13 = arith.subf %sub3A_11, %sub3A_12 : vector<22x1024xf32>
    %get3A_14 = arith.constant 0 : index
    %get3A_15 = arith.constant 0 : index
    %get3A_16 = vector.load %arg2[%get3A_14, %get3A_15] : memref<1024x128xf32, #tpu.memory_space<vmem>>, vector<1024x22xf32>
    %mul3A_17 = arith.constant 5.000000e-01 : f32
    %mul3A_18 = vector.broadcast %mul3A_17 : f32 to vector<1024x22xf32>
    %mul3A_19 = arith.mulf %get3A_16, %mul3A_18 : vector<1024x22xf32>
    %reduce_max3A_20 = arith.constant dense<0xFF800000> : vector<1024xf32>
    %reduce_max3A_21 = vector.multi_reduction <maximumf>, %mul3A_19, %reduce_max3A_20 [1] : vector<1024x22xf32> to vector<1024xf32>
    %broadcast_in_dim3A_22 = vector.shape_cast %reduce_max3A_21 : vector<1024xf32> to vector<1024x1xf32>
    %sub3A_23 = vector.broadcast %broadcast_in_dim3A_22 : vector<1024x1xf32> to vector<1024x22xf32>
    %sub3A_24 = arith.subf %mul3A_19, %sub3A_23 : vector<1024x22xf32>
    %exp3A_25 = math.exp %sub3A_24 : vector<1024x22xf32>
    %reduce_sum3A_26 = arith.constant dense<0.000000e+00> : vector<1024xf32>
    %reduce_sum3A_27 = vector.multi_reduction <add>, %exp3A_25, %reduce_sum3A_26 [1] : vector<1024x22xf32> to vector<1024xf32>
    %broadcast_in_dim3A_28 = vector.shape_cast %reduce_sum3A_27 : vector<1024xf32> to vector<1024x1xf32>
    %div3A = vector.broadcast %broadcast_in_dim3A_28 : vector<1024x1xf32> to vector<1024x22xf32>
    %div3A_29 = arith.divf %exp3A_25, %div3A : vector<1024x22xf32>
    %sub3A_30 = vector.broadcast %broadcast_in_dim3A_22 : vector<1024x1xf32> to vector<1024x22xf32>
    %sub3A_31 = arith.subf %mul3A_19, %sub3A_30 : vector<1024x22xf32>
    %log3A_32 = math.log %broadcast_in_dim3A_28 : vector<1024x1xf32>
    %sub3A_33 = vector.broadcast %log3A_32 : vector<1024x1xf32> to vector<1024x22xf32>
    %sub3A_34 = arith.subf %sub3A_31, %sub3A_33 : vector<1024x22xf32>
    %dot_general3A = arith.constant dense<0.000000e+00> : vector<22x22xf32>
    %dot_general3A_35 = tpu.matmul %sub3A_13, %div3A_29, %dot_general3A {dimension_numbers = #tpu.dot_dimension_numbers<[1], [0], [0], [1], [0, 0, 1, 1], [], []>, transpose_lhs_hint = false} : vector<22x1024xf32>, vector<1024x22xf32>, vector<22x22xf32> -> vector<22x22xf32>
    %iota3A = tpu.iota {dimensions = array<i32: 0>} : vector<22x22xi32>
    %iota3A_36 = tpu.iota {dimensions = array<i32: 1>} : vector<22x22xi32>
    %eq3A_37 = arith.cmpi eq, %iota3A, %iota3A_36 : vector<22x22xi32>
    %mul3A_38 = arith.mulf %div3A_29, %sub3A_34 : vector<1024x22xf32>
    %reduce_sum3A_39 = vector.shape_cast %mul3A_38 : vector<1024x22xf32> to vector<1x1024x22xf32>
    %reduce_sum3A_40 = arith.constant dense<0.000000e+00> : vector<1xf32>
    %reduce_sum3A_41 = vector.multi_reduction <add>, %reduce_sum3A_39, %reduce_sum3A_40 [1, 2] : vector<1x1024x22xf32> to vector<1xf32>
    %reduce_sum3A_42 = vector.shape_cast %reduce_sum3A_41 : vector<1xf32> to vector<1x1x1xf32>
    %reduce_sum3A_43 = vector.extract %reduce_sum3A_42[0, 0, 0] : f32 from vector<1x1x1xf32>
    %jit3A = arith.constant 0.000000e+00 : f32
    %broadcast_in_dim3A_44 = vector.broadcast %jit3A : f32 to vector<22x22xf32>
    %select_n3A = arith.select %eq3A_37, %dot_general3A_35, %broadcast_in_dim3A_44 : vector<22x22xi1>, vector<22x22xf32>
    %reduce_sum3A_45 = vector.shape_cast %select_n3A : vector<22x22xf32> to vector<1x22x22xf32>
    %reduce_sum3A_46 = arith.constant dense<0.000000e+00> : vector<1xf32>
    %reduce_sum3A_47 = vector.multi_reduction <add>, %reduce_sum3A_45, %reduce_sum3A_46 [1, 2] : vector<1x22x22xf32> to vector<1xf32>
    %reduce_sum3A_48 = vector.shape_cast %reduce_sum3A_47 : vector<1xf32> to vector<1x1x1xf32>
    %reduce_sum3A_49 = vector.extract %reduce_sum3A_48[0, 0, 0] : f32 from vector<1x1x1xf32>
    %sub3A_50 = arith.subf %reduce_sum3A_43, %reduce_sum3A_49 : f32
    %get3A_51 = arith.constant 0 : index
    %get3A_52 = arith.constant 0 : index
    %get3A_53 = vector.load %arg5[%get3A_51, %get3A_52] : memref<32x64xf32, #tpu.memory_space<vmem>>, vector<32x64xf32>
    %get3A_54 = arith.constant 0 : index
    %get3A_55 = arith.constant 0 : index
    %get3A_56 = vector.load %arg3[%get3A_54, %get3A_55] : memref<64x1024xf32, #tpu.memory_space<vmem>>, vector<64x1024xf32>
    %dot_general3A_57 = arith.constant dense<0.000000e+00> : vector<32x1024xf32>
    %dot_general3A_58 = tpu.matmul %get3A_53, %get3A_56, %dot_general3A_57 {dimension_numbers = #tpu.dot_dimension_numbers<[1], [0], [0], [1], [0, 0, 1, 1], [], []>, transpose_lhs_hint = false} : vector<32x64xf32>, vector<64x1024xf32>, vector<32x1024xf32> -> vector<32x1024xf32>
    %get3A_59 = arith.constant 0 : index
    %get3A_60 = arith.constant 0 : index
    %get3A_61 = vector.load %arg6[%get3A_59, %get3A_60] : memref<32x1xf32, #tpu.memory_space<vmem>>, vector<32x1xf32>
    %add3A = vector.broadcast %get3A_61 : vector<32x1xf32> to vector<32x1024xf32>
    %add3A_62 = arith.addf %dot_general3A_58, %add3A : vector<32x1024xf32>
    %max3A = arith.constant 0.000000e+00 : f32
    %max3A_63 = vector.broadcast %max3A : f32 to vector<32x1024xf32>
    %max3A_64 = arith.maximumf %add3A_62, %max3A_63 : vector<32x1024xf32>
    %transpose3A = tpu.transpose %max3A_64, [1, 0] : vector<32x1024xf32> -> vector<1024x32xf32>
    %get3A_65 = arith.constant 0 : index
    %get3A_66 = arith.constant 0 : index
    %get3A_67 = vector.load %arg7[%get3A_65, %get3A_66] : memref<512x32xf32, #tpu.memory_space<vmem>>, vector<512x32xf32>
    %dot_general3A_68 = arith.constant dense<0.000000e+00> : vector<1024x512xf32>
    %dot_general3A_69 = tpu.matmul %transpose3A, %get3A_67, %dot_general3A_68 {dimension_numbers = #tpu.dot_dimension_numbers<[1], [1], [0], [0], [0, 0, 1, 0], [], []>, transpose_lhs_hint = false} : vector<1024x32xf32>, vector<512x32xf32>, vector<1024x512xf32> -> vector<1024x512xf32>
    %get3A_70 = arith.constant 0 : index
    %get3A_71 = vector.load %arg8[%get3A_70] : memref<512xf32, #tpu.memory_space<vmem>>, vector<512xf32>
    %broadcast_in_dim3A_72 = vector.shape_cast %get3A_71 : vector<512xf32> to vector<1x512xf32>
    %add3A_73 = vector.broadcast %broadcast_in_dim3A_72 : vector<1x512xf32> to vector<1024x512xf32>
    %add3A_74 = arith.addf %dot_general3A_69, %add3A_73 : vector<1024x512xf32>
    %get3A_75 = arith.constant 0 : index
    %get3A_76 = arith.constant 0 : index
    %get3A_77 = vector.load %arg4[%get3A_75, %get3A_76] : memref<1024x512xf32, #tpu.memory_space<vmem>>, vector<1024x512xf32>
    %mul3A_78 = arith.mulf %add3A_74, %add3A_74 : vector<1024x512xf32>
    %reduce_sum3A_79 = arith.constant dense<0.000000e+00> : vector<1024xf32>
    %reduce_sum3A_80 = vector.multi_reduction <add>, %mul3A_78, %reduce_sum3A_79 [1] : vector<1024x512xf32> to vector<1024xf32>
    %broadcast_in_dim3A_81 = vector.shape_cast %reduce_sum3A_80 : vector<1024xf32> to vector<1024x1xf32>
    %sqrt3A = math.sqrt %broadcast_in_dim3A_81 : vector<1024x1xf32>
    %max3A_82 = arith.constant 9.99999996E-13 : f32
    %max3A_83 = vector.broadcast %max3A_82 : f32 to vector<1024x1xf32>
    %max3A_84 = arith.maximumf %sqrt3A, %max3A_83 : vector<1024x1xf32>
    %div3A_85 = vector.broadcast %max3A_84 : vector<1024x1xf32> to vector<1024x512xf32>
    %div3A_86 = arith.divf %add3A_74, %div3A_85 : vector<1024x512xf32>
    %mul3A_87 = arith.mulf %get3A_77, %get3A_77 : vector<1024x512xf32>
    %reduce_sum3A_88 = arith.constant dense<0.000000e+00> : vector<1024xf32>
    %reduce_sum3A_89 = vector.multi_reduction <add>, %mul3A_87, %reduce_sum3A_88 [1] : vector<1024x512xf32> to vector<1024xf32>
    %broadcast_in_dim3A_90 = vector.shape_cast %reduce_sum3A_89 : vector<1024xf32> to vector<1024x1xf32>
    %sqrt3A_91 = math.sqrt %broadcast_in_dim3A_90 : vector<1024x1xf32>
    %max3A_92 = arith.constant 9.99999996E-13 : f32
    %max3A_93 = vector.broadcast %max3A_92 : f32 to vector<1024x1xf32>
    %max3A_94 = arith.maximumf %sqrt3A_91, %max3A_93 : vector<1024x1xf32>
    %div3A_95 = vector.broadcast %max3A_94 : vector<1024x1xf32> to vector<1024x512xf32>
    %div3A_96 = arith.divf %get3A_77, %div3A_95 : vector<1024x512xf32>
    %sub3A_97 = arith.subf %div3A_86, %div3A_96 : vector<1024x512xf32>
    %mul3A_98 = arith.mulf %sub3A_97, %sub3A_97 : vector<1024x512xf32>
    %reduce_sum3A_99 = vector.shape_cast %mul3A_98 : vector<1024x512xf32> to vector<1x1024x512xf32>
    %reduce_sum3A_100 = arith.constant dense<0.000000e+00> : vector<1xf32>
    %reduce_sum3A_101 = vector.multi_reduction <add>, %reduce_sum3A_99, %reduce_sum3A_100 [1, 2] : vector<1x1024x512xf32> to vector<1xf32>
    %reduce_sum3A_102 = vector.shape_cast %reduce_sum3A_101 : vector<1xf32> to vector<1x1x1xf32>
    %reduce_sum3A_103 = vector.extract %reduce_sum3A_102[0, 0, 0] : f32 from vector<1x1x1xf32>
    %get3A_104 = arith.constant 0 : index
    %get3A_105 = memref.load %arg10[%get3A_104] : memref<2xf32, #tpu.memory_space<smem>>
    %add3A_106 = arith.addf %get3A_105, %sub3A_50 : f32
    %get3A_107 = arith.constant 1 : index
    %get3A_108 = memref.load %arg10[%get3A_107] : memref<2xf32, #tpu.memory_space<smem>>
    %add3A_109 = arith.addf %get3A_108, %reduce_sum3A_103 : f32
    %swap3A = arith.constant 0 : index
    %swap3A_110 = memref.load %arg10[%swap3A] : memref<2xf32, #tpu.memory_space<smem>>
    memref.store %add3A_106, %arg10[%swap3A] : memref<2xf32, #tpu.memory_space<smem>>
    %swap3A_111 = arith.constant 1 : index
    %swap3A_112 = memref.load %arg10[%swap3A_111] : memref<2xf32, #tpu.memory_space<smem>>
    memref.store %add3A_109, %arg10[%swap3A_111] : memref<2xf32, #tpu.memory_space<smem>>
    %eq3A_113 = arith.constant 3 : i32
    %eq3A_114 = arith.cmpi eq, %arg0, %eq3A_113 : i32
    %convert_element_type3A_115 = arith.extui %eq3A_114 : i1 to i32
    %cond3A_116 = arith.constant 0 : i32
    %cond3A_117 = arith.cmpi ne, %convert_element_type3A_115, %cond3A_116 : i32
    scf.if %cond3A_117 {
      %swap3A_118 = arith.constant 0 : index
      %swap3A_119 = memref.load %arg9[%swap3A_118] : memref<2xf32, #tpu.memory_space<smem>>
      memref.store %add3A_106, %arg9[%swap3A_118] : memref<2xf32, #tpu.memory_space<smem>>
      %swap3A_120 = arith.constant 1 : index
      %swap3A_121 = memref.load %arg9[%swap3A_120] : memref<2xf32, #tpu.memory_space<smem>>
      memref.store %add3A_109, %arg9[%swap3A_120] : memref<2xf32, #tpu.memory_space<smem>>
    } else {
    }
    return
  }
  func.func @transform_0(%arg0: i32) -> (i32, i32) {
    %add3A = arith.constant 0 : i32
    %add3A_0 = arith.addi %arg0, %add3A : i32
    %c0_i32 = arith.constant 0 : i32
    %c0_i32_1 = arith.constant 0 : i32
    return %c0_i32, %add3A_0 : i32, i32
  }
  func.func @transform_1(%arg0: i32) -> (i32, i32) {
    %c0_i32 = arith.constant 0 : i32
    %c0_i32_0 = arith.constant 0 : i32
    return %arg0, %c0_i32 : i32, i32
  }
  func.func @transform_2(%arg0: i32) -> (i32, i32) {
    %add3A = arith.constant 0 : i32
    %add3A_0 = arith.addi %arg0, %add3A : i32
    %c0_i32 = arith.constant 0 : i32
    %c0_i32_1 = arith.constant 0 : i32
    return %c0_i32, %add3A_0 : i32, i32
  }
  func.func @transform_3(%arg0: i32) -> (i32, i32) {
    %c0_i32 = arith.constant 0 : i32
    %c0_i32_0 = arith.constant 0 : i32
    return %arg0, %c0_i32 : i32, i32
  }
  func.func @transform_4(%arg0: i32) -> (i32, i32) {
    %c0_i32 = arith.constant 0 : i32
    %c0_i32_0 = arith.constant 0 : i32
    %c0_i32_1 = arith.constant 0 : i32
    return %c0_i32, %c0_i32_0 : i32, i32
  }
  func.func @transform_5(%arg0: i32) -> (i32, i32) {
    %c0_i32 = arith.constant 0 : i32
    %c0_i32_0 = arith.constant 0 : i32
    %c0_i32_1 = arith.constant 0 : i32
    return %c0_i32, %c0_i32_0 : i32, i32
  }
  func.func @transform_6(%arg0: i32) -> (i32, i32) {
    %c0_i32 = arith.constant 0 : i32
    %c0_i32_0 = arith.constant 0 : i32
    %c0_i32_1 = arith.constant 0 : i32
    return %c0_i32, %c0_i32_0 : i32, i32
  }
  func.func @transform_7(%arg0: i32) -> i32 {
    %c0_i32 = arith.constant 0 : i32
    %c0_i32_0 = arith.constant 0 : i32
    return %c0_i32 : i32
  }
  func.func @transform_8(%arg0: i32) -> i32 {
    %c0_i32 = arith.constant 0 : i32
    %c0_i32_0 = arith.constant 0 : i32
    return %c0_i32 : i32
  }
}

module attributes {stable_mosaic.version = 14 : i64} {
  func.func @_loss_body(%arg0: i32, %arg1: memref<22x1024xf32, #tpu.memory_space<vmem>>, %arg2: memref<1024x128xf32, #tpu.memory_space<vmem>>, %arg3: memref<64x1024xf32, #tpu.memory_space<vmem>>, %arg4: memref<1024x512xf32, #tpu.memory_space<vmem>>, %arg5: memref<32x64xf32, #tpu.memory_space<vmem>>, %arg6: memref<32x1xf32, #tpu.memory_space<vmem>>, %arg7: memref<512x32xf32, #tpu.memory_space<vmem>>, %arg8: memref<512xf32, #tpu.memory_space<vmem>>, %arg9: memref<5xf32, #tpu.memory_space<vmem>>, %arg10: memref<2xf32, #tpu.memory_space<smem>>, %arg11: memref<1x1xf32, #tpu.memory_space<vmem>>, %arg12: memref<2xf32, #tpu.memory_space<smem>>) attributes {dimension_semantics = [#tpu.dimension_semantics<arbitrary>], iteration_bounds = array<i64: 4>, scalar_prefetch = 0 : i64, scratch_operands = 1 : i64, tpu.core_type = #tpu.core_type<tc>, window_params = [{transform_indices = @transform_0, window_bounds = array<i64: 22, 1024>}, {transform_indices = @transform_1, window_bounds = array<i64: 1024, 128>}, {transform_indices = @transform_2, window_bounds = array<i64: 64, 1024>}, {transform_indices = @transform_3, window_bounds = array<i64: 1024, 512>}, {pipeline_mode = #tpu.pipeline_mode<synchronous>, transform_indices = @transform_4, window_bounds = array<i64: 32, 64>}, {pipeline_mode = #tpu.pipeline_mode<synchronous>, transform_indices = @transform_5, window_bounds = array<i64: 32, 1>}, {pipeline_mode = #tpu.pipeline_mode<synchronous>, transform_indices = @transform_6, window_bounds = array<i64: 512, 32>}, {pipeline_mode = #tpu.pipeline_mode<synchronous>, transform_indices = @transform_7, window_bounds = array<i64: 512>}, {pipeline_mode = #tpu.pipeline_mode<synchronous>, transform_indices = @transform_8, window_bounds = array<i64: 5>}, {transform_indices = @transform_9, window_bounds = array<i64: 2>}, {pipeline_mode = #tpu.pipeline_mode<synchronous>, transform_indices = @transform_10, window_bounds = array<i64: 1, 1>}]} {
    %eq3A = arith.constant 0 : i32
    %eq3A_0 = arith.cmpi eq, %arg0, %eq3A : i32
    %convert_element_type3A = arith.extui %eq3A_0 : i1 to i32
    %cond3A = arith.constant 0 : i32
    %cond3A_1 = arith.cmpi ne, %convert_element_type3A, %cond3A : i32
    scf.if %cond3A_1 {
      %swap3A_118 = arith.constant 0.000000e+00 : f32
      %swap3A_119 = arith.constant 0 : index
      %swap3A_120 = memref.load %arg12[%swap3A_119] : memref<2xf32, #tpu.memory_space<smem>>
      memref.store %swap3A_118, %arg12[%swap3A_119] : memref<2xf32, #tpu.memory_space<smem>>
      %swap3A_121 = arith.constant 0.000000e+00 : f32
      %swap3A_122 = arith.constant 1 : index
      %swap3A_123 = memref.load %arg12[%swap3A_122] : memref<2xf32, #tpu.memory_space<smem>>
      memref.store %swap3A_121, %arg12[%swap3A_122] : memref<2xf32, #tpu.memory_space<smem>>
    } else {
    }
    %get3A = arith.constant 0 : index
    %get3A_2 = arith.constant 0 : index
    %get3A_3 = vector.load %arg1[%get3A, %get3A_2] : memref<22x1024xf32, #tpu.memory_space<vmem>>, vector<22x1024xf32>
    %mul3A = arith.constant 5.000000e-01 : f32
    %mul3A_4 = vector.broadcast %mul3A : f32 to vector<22x1024xf32>
    %mul3A_5 = arith.mulf %get3A_3, %mul3A_4 : vector<22x1024xf32>
    %reduce_max3A = arith.constant dense<0xFF800000> : vector<1024xf32>
    %reduce_max3A_6 = vector.multi_reduction <maximumf>, %mul3A_5, %reduce_max3A [0] : vector<22x1024xf32> to vector<1024xf32>
    %broadcast_in_dim3A = vector.shape_cast %reduce_max3A_6 : vector<1024xf32> to vector<1x1024xf32>
    %sub3A = vector.broadcast %broadcast_in_dim3A : vector<1x1024xf32> to vector<22x1024xf32>
    %sub3A_7 = arith.subf %mul3A_5, %sub3A : vector<22x1024xf32>
    %exp3A = math.exp %sub3A_7 : vector<22x1024xf32>
    %reduce_sum3A = arith.constant dense<0.000000e+00> : vector<1024xf32>
    %reduce_sum3A_8 = vector.multi_reduction <add>, %exp3A, %reduce_sum3A [0] : vector<22x1024xf32> to vector<1024xf32>
    %broadcast_in_dim3A_9 = vector.shape_cast %reduce_sum3A_8 : vector<1024xf32> to vector<1x1024xf32>
    %sub3A_10 = vector.broadcast %broadcast_in_dim3A : vector<1x1024xf32> to vector<22x1024xf32>
    %sub3A_11 = arith.subf %mul3A_5, %sub3A_10 : vector<22x1024xf32>
    %log3A = math.log %broadcast_in_dim3A_9 : vector<1x1024xf32>
    %sub3A_12 = vector.broadcast %log3A : vector<1x1024xf32> to vector<22x1024xf32>
    %sub3A_13 = arith.subf %sub3A_11, %sub3A_12 : vector<22x1024xf32>
    %get3A_14 = arith.constant 0 : index
    %get3A_15 = arith.constant 0 : index
    %get3A_16 = vector.load %arg2[%get3A_14, %get3A_15] : memref<1024x128xf32, #tpu.memory_space<vmem>>, vector<1024x22xf32>
    %mul3A_17 = arith.constant 5.000000e-01 : f32
    %mul3A_18 = vector.broadcast %mul3A_17 : f32 to vector<1024x22xf32>
    %mul3A_19 = arith.mulf %get3A_16, %mul3A_18 : vector<1024x22xf32>
    %reduce_max3A_20 = arith.constant dense<0xFF800000> : vector<1024xf32>
    %reduce_max3A_21 = vector.multi_reduction <maximumf>, %mul3A_19, %reduce_max3A_20 [1] : vector<1024x22xf32> to vector<1024xf32>
    %broadcast_in_dim3A_22 = vector.shape_cast %reduce_max3A_21 : vector<1024xf32> to vector<1024x1xf32>
    %sub3A_23 = vector.broadcast %broadcast_in_dim3A_22 : vector<1024x1xf32> to vector<1024x22xf32>
    %sub3A_24 = arith.subf %mul3A_19, %sub3A_23 : vector<1024x22xf32>
    %exp3A_25 = math.exp %sub3A_24 : vector<1024x22xf32>
    %reduce_sum3A_26 = arith.constant dense<0.000000e+00> : vector<1024xf32>
    %reduce_sum3A_27 = vector.multi_reduction <add>, %exp3A_25, %reduce_sum3A_26 [1] : vector<1024x22xf32> to vector<1024xf32>
    %broadcast_in_dim3A_28 = vector.shape_cast %reduce_sum3A_27 : vector<1024xf32> to vector<1024x1xf32>
    %div3A = vector.broadcast %broadcast_in_dim3A_28 : vector<1024x1xf32> to vector<1024x22xf32>
    %div3A_29 = arith.divf %exp3A_25, %div3A : vector<1024x22xf32>
    %sub3A_30 = vector.broadcast %broadcast_in_dim3A_22 : vector<1024x1xf32> to vector<1024x22xf32>
    %sub3A_31 = arith.subf %mul3A_19, %sub3A_30 : vector<1024x22xf32>
    %log3A_32 = math.log %broadcast_in_dim3A_28 : vector<1024x1xf32>
    %sub3A_33 = vector.broadcast %log3A_32 : vector<1024x1xf32> to vector<1024x22xf32>
    %sub3A_34 = arith.subf %sub3A_31, %sub3A_33 : vector<1024x22xf32>
    %dot_general3A = arith.constant dense<0.000000e+00> : vector<22x22xf32>
    %dot_general3A_35 = tpu.matmul %sub3A_13, %div3A_29, %dot_general3A {dimension_numbers = #tpu.dot_dimension_numbers<[1], [0], [0], [1], [0, 0, 1, 1], [], []>, transpose_lhs_hint = false} : vector<22x1024xf32>, vector<1024x22xf32>, vector<22x22xf32> -> vector<22x22xf32>
    %iota3A = tpu.iota {dimensions = array<i32: 0>} : vector<22x22xi32>
    %iota3A_36 = tpu.iota {dimensions = array<i32: 1>} : vector<22x22xi32>
    %eq3A_37 = arith.cmpi eq, %iota3A, %iota3A_36 : vector<22x22xi32>
    %mul3A_38 = arith.mulf %div3A_29, %sub3A_34 : vector<1024x22xf32>
    %reduce_sum3A_39 = vector.shape_cast %mul3A_38 : vector<1024x22xf32> to vector<1x1024x22xf32>
    %reduce_sum3A_40 = arith.constant dense<0.000000e+00> : vector<1xf32>
    %reduce_sum3A_41 = vector.multi_reduction <add>, %reduce_sum3A_39, %reduce_sum3A_40 [1, 2] : vector<1x1024x22xf32> to vector<1xf32>
    %reduce_sum3A_42 = vector.shape_cast %reduce_sum3A_41 : vector<1xf32> to vector<1x1x1xf32>
    %reduce_sum3A_43 = vector.extract %reduce_sum3A_42[0, 0, 0] : f32 from vector<1x1x1xf32>
    %jit3A = arith.constant 0.000000e+00 : f32
    %broadcast_in_dim3A_44 = vector.broadcast %jit3A : f32 to vector<22x22xf32>
    %select_n3A = arith.select %eq3A_37, %dot_general3A_35, %broadcast_in_dim3A_44 : vector<22x22xi1>, vector<22x22xf32>
    %reduce_sum3A_45 = vector.shape_cast %select_n3A : vector<22x22xf32> to vector<1x22x22xf32>
    %reduce_sum3A_46 = arith.constant dense<0.000000e+00> : vector<1xf32>
    %reduce_sum3A_47 = vector.multi_reduction <add>, %reduce_sum3A_45, %reduce_sum3A_46 [1, 2] : vector<1x22x22xf32> to vector<1xf32>
    %reduce_sum3A_48 = vector.shape_cast %reduce_sum3A_47 : vector<1xf32> to vector<1x1x1xf32>
    %reduce_sum3A_49 = vector.extract %reduce_sum3A_48[0, 0, 0] : f32 from vector<1x1x1xf32>
    %sub3A_50 = arith.subf %reduce_sum3A_43, %reduce_sum3A_49 : f32
    %get3A_51 = arith.constant 0 : index
    %get3A_52 = arith.constant 0 : index
    %get3A_53 = vector.load %arg5[%get3A_51, %get3A_52] : memref<32x64xf32, #tpu.memory_space<vmem>>, vector<32x64xf32>
    %get3A_54 = arith.constant 0 : index
    %get3A_55 = arith.constant 0 : index
    %get3A_56 = vector.load %arg3[%get3A_54, %get3A_55] : memref<64x1024xf32, #tpu.memory_space<vmem>>, vector<64x1024xf32>
    %dot_general3A_57 = arith.constant dense<0.000000e+00> : vector<32x1024xf32>
    %dot_general3A_58 = tpu.matmul %get3A_53, %get3A_56, %dot_general3A_57 {dimension_numbers = #tpu.dot_dimension_numbers<[1], [0], [0], [1], [0, 0, 1, 1], [], []>, transpose_lhs_hint = false} : vector<32x64xf32>, vector<64x1024xf32>, vector<32x1024xf32> -> vector<32x1024xf32>
    %get3A_59 = arith.constant 0 : index
    %get3A_60 = arith.constant 0 : index
    %get3A_61 = vector.load %arg6[%get3A_59, %get3A_60] : memref<32x1xf32, #tpu.memory_space<vmem>>, vector<32x1xf32>
    %add3A = vector.broadcast %get3A_61 : vector<32x1xf32> to vector<32x1024xf32>
    %add3A_62 = arith.addf %dot_general3A_58, %add3A : vector<32x1024xf32>
    %max3A = arith.constant 0.000000e+00 : f32
    %max3A_63 = vector.broadcast %max3A : f32 to vector<32x1024xf32>
    %max3A_64 = arith.maximumf %add3A_62, %max3A_63 : vector<32x1024xf32>
    %transpose3A = tpu.transpose %max3A_64, [1, 0] : vector<32x1024xf32> -> vector<1024x32xf32>
    %get3A_65 = arith.constant 0 : index
    %get3A_66 = arith.constant 0 : index
    %get3A_67 = vector.load %arg7[%get3A_65, %get3A_66] : memref<512x32xf32, #tpu.memory_space<vmem>>, vector<512x32xf32>
    %dot_general3A_68 = arith.constant dense<0.000000e+00> : vector<1024x512xf32>
    %dot_general3A_69 = tpu.matmul %transpose3A, %get3A_67, %dot_general3A_68 {dimension_numbers = #tpu.dot_dimension_numbers<[1], [1], [0], [0], [0, 0, 1, 0], [], []>, transpose_lhs_hint = false} : vector<1024x32xf32>, vector<512x32xf32>, vector<1024x512xf32> -> vector<1024x512xf32>
    %get3A_70 = arith.constant 0 : index
    %get3A_71 = vector.load %arg8[%get3A_70] : memref<512xf32, #tpu.memory_space<vmem>>, vector<512xf32>
    %broadcast_in_dim3A_72 = vector.shape_cast %get3A_71 : vector<512xf32> to vector<1x512xf32>
    %add3A_73 = vector.broadcast %broadcast_in_dim3A_72 : vector<1x512xf32> to vector<1024x512xf32>
    %add3A_74 = arith.addf %dot_general3A_69, %add3A_73 : vector<1024x512xf32>
    %get3A_75 = arith.constant 0 : index
    %get3A_76 = arith.constant 0 : index
    %get3A_77 = vector.load %arg4[%get3A_75, %get3A_76] : memref<1024x512xf32, #tpu.memory_space<vmem>>, vector<1024x512xf32>
    %mul3A_78 = arith.mulf %add3A_74, %add3A_74 : vector<1024x512xf32>
    %reduce_sum3A_79 = arith.constant dense<0.000000e+00> : vector<1024xf32>
    %reduce_sum3A_80 = vector.multi_reduction <add>, %mul3A_78, %reduce_sum3A_79 [1] : vector<1024x512xf32> to vector<1024xf32>
    %broadcast_in_dim3A_81 = vector.shape_cast %reduce_sum3A_80 : vector<1024xf32> to vector<1024x1xf32>
    %sqrt3A = math.sqrt %broadcast_in_dim3A_81 : vector<1024x1xf32>
    %max3A_82 = arith.constant 9.99999996E-13 : f32
    %max3A_83 = vector.broadcast %max3A_82 : f32 to vector<1024x1xf32>
    %max3A_84 = arith.maximumf %sqrt3A, %max3A_83 : vector<1024x1xf32>
    %div3A_85 = vector.broadcast %max3A_84 : vector<1024x1xf32> to vector<1024x512xf32>
    %div3A_86 = arith.divf %add3A_74, %div3A_85 : vector<1024x512xf32>
    %mul3A_87 = arith.mulf %get3A_77, %get3A_77 : vector<1024x512xf32>
    %reduce_sum3A_88 = arith.constant dense<0.000000e+00> : vector<1024xf32>
    %reduce_sum3A_89 = vector.multi_reduction <add>, %mul3A_87, %reduce_sum3A_88 [1] : vector<1024x512xf32> to vector<1024xf32>
    %broadcast_in_dim3A_90 = vector.shape_cast %reduce_sum3A_89 : vector<1024xf32> to vector<1024x1xf32>
    %sqrt3A_91 = math.sqrt %broadcast_in_dim3A_90 : vector<1024x1xf32>
    %max3A_92 = arith.constant 9.99999996E-13 : f32
    %max3A_93 = vector.broadcast %max3A_92 : f32 to vector<1024x1xf32>
    %max3A_94 = arith.maximumf %sqrt3A_91, %max3A_93 : vector<1024x1xf32>
    %div3A_95 = vector.broadcast %max3A_94 : vector<1024x1xf32> to vector<1024x512xf32>
    %div3A_96 = arith.divf %get3A_77, %div3A_95 : vector<1024x512xf32>
    %sub3A_97 = arith.subf %div3A_86, %div3A_96 : vector<1024x512xf32>
    %mul3A_98 = arith.mulf %sub3A_97, %sub3A_97 : vector<1024x512xf32>
    %reduce_sum3A_99 = vector.shape_cast %mul3A_98 : vector<1024x512xf32> to vector<1x1024x512xf32>
    %reduce_sum3A_100 = arith.constant dense<0.000000e+00> : vector<1xf32>
    %reduce_sum3A_101 = vector.multi_reduction <add>, %reduce_sum3A_99, %reduce_sum3A_100 [1, 2] : vector<1x1024x512xf32> to vector<1xf32>
    %reduce_sum3A_102 = vector.shape_cast %reduce_sum3A_101 : vector<1xf32> to vector<1x1x1xf32>
    %reduce_sum3A_103 = vector.extract %reduce_sum3A_102[0, 0, 0] : f32 from vector<1x1x1xf32>
    %get3A_104 = arith.constant 0 : index
    %get3A_105 = memref.load %arg12[%get3A_104] : memref<2xf32, #tpu.memory_space<smem>>
    %add3A_106 = arith.addf %get3A_105, %sub3A_50 : f32
    %get3A_107 = arith.constant 1 : index
    %get3A_108 = memref.load %arg12[%get3A_107] : memref<2xf32, #tpu.memory_space<smem>>
    %add3A_109 = arith.addf %get3A_108, %reduce_sum3A_103 : f32
    %swap3A = arith.constant 0 : index
    %swap3A_110 = memref.load %arg12[%swap3A] : memref<2xf32, #tpu.memory_space<smem>>
    memref.store %add3A_106, %arg12[%swap3A] : memref<2xf32, #tpu.memory_space<smem>>
    %swap3A_111 = arith.constant 1 : index
    %swap3A_112 = memref.load %arg12[%swap3A_111] : memref<2xf32, #tpu.memory_space<smem>>
    memref.store %add3A_109, %arg12[%swap3A_111] : memref<2xf32, #tpu.memory_space<smem>>
    %eq3A_113 = arith.constant 3 : i32
    %eq3A_114 = arith.cmpi eq, %arg0, %eq3A_113 : i32
    %convert_element_type3A_115 = arith.extui %eq3A_114 : i1 to i32
    %cond3A_116 = arith.constant 0 : i32
    %cond3A_117 = arith.cmpi ne, %convert_element_type3A_115, %cond3A_116 : i32
    scf.if %cond3A_117 {
      %get3A_118 = arith.constant 0 : index
      %get3A_119 = memref.load %arg10[%get3A_118] : memref<2xf32, #tpu.memory_space<smem>>
      %add3A_120 = arith.addf %add3A_106, %get3A_119 : f32
      %get3A_121 = arith.constant 1 : index
      %get3A_122 = memref.load %arg10[%get3A_121] : memref<2xf32, #tpu.memory_space<smem>>
      %add3A_123 = arith.addf %add3A_109, %get3A_122 : f32
      %get3A_124 = arith.constant 0 : index
      %get3A_125 = vector.load %arg9[%get3A_124] : memref<5xf32, #tpu.memory_space<vmem>>, vector<5xf32>
      %reduce_max3A_126 = vector.shape_cast %get3A_125 : vector<5xf32> to vector<1x5xf32>
      %reduce_max3A_127 = arith.constant dense<0xFF800000> : vector<1xf32>
      %reduce_max3A_128 = vector.multi_reduction <maximumf>, %reduce_max3A_126, %reduce_max3A_127 [1] : vector<1x5xf32> to vector<1xf32>
      %reduce_max3A_129 = vector.shape_cast %reduce_max3A_128 : vector<1xf32> to vector<1x1xf32>
      %reduce_max3A_130 = vector.extract %reduce_max3A_129[0, 0] : f32 from vector<1x1xf32>
      %sub3A_131 = vector.broadcast %reduce_max3A_130 : f32 to vector<5xf32>
      %sub3A_132 = arith.subf %get3A_125, %sub3A_131 : vector<5xf32>
      %exp3A_133 = math.exp %sub3A_132 : vector<5xf32>
      %iota3A_134 = tpu.iota {dimensions = array<i32: 1>} : vector<1x5xi32>
      %iota3A_135 = vector.shape_cast %iota3A_134 : vector<1x5xi32> to vector<5xi32>
      %eq3A_136 = arith.constant 4 : i32
      %eq3A_137 = vector.broadcast %eq3A_136 : i32 to vector<5xi32>
      %eq3A_138 = arith.cmpi eq, %iota3A_135, %eq3A_137 : vector<5xi32>
      %jit3A_139 = arith.constant 0.000000e+00 : f32
      %broadcast_in_dim3A_140 = vector.broadcast %jit3A_139 : f32 to vector<5xf32>
      %select_n3A_141 = arith.select %eq3A_138, %exp3A_133, %broadcast_in_dim3A_140 : vector<5xi1>, vector<5xf32>
      %reduce_sum3A_142 = vector.shape_cast %select_n3A_141 : vector<5xf32> to vector<1x5xf32>
      %reduce_sum3A_143 = arith.constant dense<0.000000e+00> : vector<1xf32>
      %reduce_sum3A_144 = vector.multi_reduction <add>, %reduce_sum3A_142, %reduce_sum3A_143 [1] : vector<1x5xf32> to vector<1xf32>
      %reduce_sum3A_145 = vector.shape_cast %reduce_sum3A_144 : vector<1xf32> to vector<1x1xf32>
      %reduce_sum3A_146 = vector.extract %reduce_sum3A_145[0, 0] : f32 from vector<1x1xf32>
      %reduce_sum3A_147 = vector.shape_cast %exp3A_133 : vector<5xf32> to vector<1x5xf32>
      %reduce_sum3A_148 = arith.constant dense<0.000000e+00> : vector<1xf32>
      %reduce_sum3A_149 = vector.multi_reduction <add>, %reduce_sum3A_147, %reduce_sum3A_148 [1] : vector<1x5xf32> to vector<1xf32>
      %reduce_sum3A_150 = vector.shape_cast %reduce_sum3A_149 : vector<1xf32> to vector<1x1xf32>
      %reduce_sum3A_151 = vector.extract %reduce_sum3A_150[0, 0] : f32 from vector<1x1xf32>
      %div3A_152 = arith.divf %reduce_sum3A_146, %reduce_sum3A_151 : f32
      %div3A_153 = arith.constant 8.192000e+03 : f32
      %div3A_154 = arith.divf %add3A_120, %div3A_153 : f32
      %mul3A_155 = arith.constant 5.000000e-01 : f32
      %mul3A_156 = arith.mulf %mul3A_155, %div3A_154 : f32
      %mul3A_157 = arith.constant 4.000000e+00 : f32
      %mul3A_158 = arith.mulf %mul3A_156, %mul3A_157 : f32
      %div3A_159 = arith.constant 0x4A800000 : f32
      %div3A_160 = arith.divf %add3A_123, %div3A_159 : f32
      %mul3A_161 = arith.mulf %div3A_152, %div3A_160 : f32
      %add3A_162 = arith.addf %mul3A_158, %mul3A_161 : f32
      %broadcast_in_dim3A_163 = vector.broadcast %add3A_162 : f32 to vector<1x1xf32>
      %swap3A_164 = arith.constant 0 : index
      %swap3A_165 = arith.constant 0 : index
      %swap3A_166 = vector.load %arg11[%swap3A_164, %swap3A_165] : memref<1x1xf32, #tpu.memory_space<vmem>>, vector<1x1xf32>
      tpu.vector_store %arg11[%swap3A_164, %swap3A_165], %broadcast_in_dim3A_163 {strides = array<i32>} : memref<1x1xf32, #tpu.memory_space<vmem>>, vector<1x1xf32>,
    } else {
    }
    return
  }
  func.func @transform_0(%arg0: i32) -> (i32, i32) {
    %add3A = arith.constant 4 : i32
    %add3A_0 = arith.addi %arg0, %add3A : i32
    %c0_i32 = arith.constant 0 : i32
    %c0_i32_1 = arith.constant 0 : i32
    return %c0_i32, %add3A_0 : i32, i32
  }
  func.func @transform_1(%arg0: i32) -> (i32, i32) {
    %c0_i32 = arith.constant 0 : i32
    %c0_i32_0 = arith.constant 0 : i32
    return %arg0, %c0_i32 : i32, i32
  }
  func.func @transform_2(%arg0: i32) -> (i32, i32) {
    %add3A = arith.constant 4 : i32
    %add3A_0 = arith.addi %arg0, %add3A : i32
    %c0_i32 = arith.constant 0 : i32
    %c0_i32_1 = arith.constant 0 : i32
    return %c0_i32, %add3A_0 : i32, i32
  }
  func.func @transform_3(%arg0: i32) -> (i32, i32) {
    %c0_i32 = arith.constant 0 : i32
    %c0_i32_0 = arith.constant 0 : i32
    return %arg0, %c0_i32 : i32, i32
  }
  func.func @transform_4(%arg0: i32) -> (i32, i32) {
    %c0_i32 = arith.constant 0 : i32
    %c0_i32_0 = arith.constant 0 : i32
    %c0_i32_1 = arith.constant 0 : i32
    return %c0_i32, %c0_i32_0 : i32, i32
  }
  func.func @transform_5(%arg0: i32) -> (i32, i32) {
    %c0_i32 = arith.constant 0 : i32
    %c0_i32_0 = arith.constant 0 : i32
    %c0_i32_1 = arith.constant 0 : i32
    return %c0_i32, %c0_i32_0 : i32, i32
  }
  func.func @transform_6(%arg0: i32) -> (i32, i32) {
    %c0_i32 = arith.constant 0 : i32
    %c0_i32_0 = arith.constant 0 : i32
    %c0_i32_1 = arith.constant 0 : i32
    return %c0_i32, %c0_i32_0 : i32, i32
  }
  func.func @transform_7(%arg0: i32) -> i32 {
    %c0_i32 = arith.constant 0 : i32
    %c0_i32_0 = arith.constant 0 : i32
    return %c0_i32 : i32
  }
  func.func @transform_8(%arg0: i32) -> i32 {
    %c0_i32 = arith.constant 0 : i32
    %c0_i32_0 = arith.constant 0 : i32
    return %c0_i32 : i32
  }
  func.func @transform_9(%arg0: i32) -> i32 {
    %c0_i32 = arith.constant 0 : i32
    %c0_i32_0 = arith.constant 0 : i32
    return %c0_i32 : i32
  }
  func.func @transform_10(%arg0: i32) -> (i32, i32) {
    %c0_i32 = arith.constant 0 : i32
    %c0_i32_0 = arith.constant 0 : i32
    %c0_i32_1 = arith.constant 0 : i32
    return %c0_i32, %c0_i32_0 : i32, i32
  }
}

</mosaic_0001>

<sc_bundles>
// kernel: kernel.11.cloned.1.call-start
scs
__scs_entry_jumppad:
0x0: {  	(pc) =	sbr.rel $0x88, $3  }
0x1: {  	(tag) =	ssettag $0x0;
	lr =	simm.s32 $0x1  }
0x2: {  	[smem:$0x3F96] =	sst lr;
	_ =	strace $0xD0000000  }
0x3: {  	_ = 	snop  }
0x4: {  	_ = 	snop  }
0x5: {  	_ = 	snop  }
0x6: {  	_ = 	snop  }
0x7: {  	_ = 	snop  }
__scs_overlays_trampoline_lowered:
0x8: {  	[smem:$0x3FA5] =	sst s0  }
0x9: {  	[smem:$0x3FA6] =	sst s1  }
0xa: {  	[smem:$0x3FA7] =	sst s2  }
0xb: {  	[smem:$0x3FA8] =	sst s3  }
0xc: {  	[smem:$0x3FA9] =	sst s4  }
0xd: {  	[smem:$0x3FAA] =	sst s5  }
0xe: {  	[smem:$0x3FAB] =	sst s6  }
0xf: {  	[smem:$0x3FAC] =	sst s7  }
0x10: {  	[smem:$0x3FAD] =	sst s8  }
0x11: {  	[smem:$0x3FAE] =	sst s9;
	s0 =	simm.s32 @!p0 $0x0  }
0x12: {  	s1 =	sld [smem:$0x3F94];
	s0 =	simm.s32 @p0 $0x1  }
0x13: {  	[smem:$0x3FAF] =	sst s0;
	s0 =	simm.s32 @!p1 $0x0  }
0x14: {  	s2 =	sld [smem:$0x3F93];
	s0 =	simm.s32 @p1 $0x1  }
0x15: {  	[smem:$0x3FB0] =	sst s0;
	s0 =	simm.s32 @!p2 $0x0  }
0x16: {  	s3 =	sld [smem:$0x3FDB];
	s0 =	simm.s32 @p2 $0x1  }
0x17: {  	s4 =	simm.s32 $0x1BF5;
	[smem:$0x3FB2] =	sst s0  }
0x18: {  	s0 =	sld [smem:$0x3F95];
	_ =	swait.ge [sflag:s4], $0x0  }
0x19: {  	s7 =	sld [smem:$0x3F96]  }
0x1a: {  	s8 =	sadd.s32 $0xFFFFE003, lr  }
0x1b: {  	s9 =	sadd.s32 $0xFFFFFEF7, lr;
	s5 =	simm.s32 $0xFFFFFFFF;
	p2 =	slt.u32 s8, $0xFFFFF086  }
0x1c: {  	p1 =	slt.u32 s9, $0xF7A;
	s5 =	simm.s32 @!p2 $0x0  }
0x1d: {  	s5 =	simm.s32 @p1 $0x1;
	p0 =	seq.s32 s7, s2  }
0x1e: {  	s7 =	smul.u32 @!p0 $0xF7A, s2;
	p2 =	seq.s32 @!p0 s5, $0x0  }
0x1f: {  	s9 =	smul.u32 $0xF7A, s1;
	s8 =	simm.s32 @!p0 $0x1BF5;
	p2 =	por !p2, p0  }
0x20: {  	[sflag:s8] =	ssyncset.s32 @!p0 $0xFFFFF086;
	s6 =	sadd.s32 @!p0 s3, s7;
	s7 =	simm.s32 @!p0 $0x108  }
0x21: {  	s3 =	sadd.s32 s3, s9;
	s6 =	sadd.s32 @!p0 $0x88, s6;
	s7 =	simm.s32 @p2 $0x1082  }
0x22: {  	[simem:s7], [sflag:s8] =	dma.local @!p0 [hbm:s6], $0xF7A  }
0x23: {  	s9 =	sor.u32 $0xD0000000, s2;
	s6 =	simm.s32 $0x108;
	_ =	swait.ge @!p0 [sflag:s8], $0x0  }
0x24: {  	s3 =	sadd.s32 $0x88, s3;
	s6 =	simm.s32 @!p1 $0x1082;
	[sflag:s4] =	ssyncset.s32 $0xFFFFF086  }
0x25: {  	[simem:s6], [sflag:s4] =	dma.local [hbm:s3], $0xF7A  }
0x26: {  	[smem:$0x3F96] =	sst s1;
	(tag) =	ssettag s2;
	_ =	strace s9  }
0x27: {  	s1 =	sld [smem:$0x3FA6]  }
0x28: {  	s2 =	sld [smem:$0x3FA7]  }
0x29: {  	s4 =	sld [smem:$0x3FA9]  }
0x2a: {  	p0 =	seq.s32 s5, $0x0;
	s5 =	sld [smem:$0x3FAA]  }
0x2b: {  	s6 =	sld [smem:$0x3FAB]  }
0x2c: {  	s7 =	sld [smem:$0x3FAC]  }
0x2d: {  	s3 =	simm.s32 $0x108;
	s8 =	sld [smem:$0x3FAD]  }
0x2e: {  	s3 =	simm.s32 @!p0 $0x1082;
	s9 =	sld [smem:$0x3FAE]  }
0x2f: {  	lr =	sadd.s32 s0, s3;
	s0 =	sld [smem:$0x3FA5]  }
0x30: {  	s3 =	sld [smem:$0x3FA8]  }
0x31: {  	[smem:$0x3FB1] =	sst s10  }
0x32: {  	s10 =	sld [smem:$0x3FAF];
	_ =	sdelay $0x3  }
0x33: {  	p0 =	seq.s32 s10, $0x1;
	s10 =	sld [smem:$0x3FB1];
	_ =	sdelay $0x3  }
0x34: {  	[smem:$0x3FB1] =	sst s10  }
0x35: {  	s10 =	sld [smem:$0x3FB0];
	_ =	sdelay $0x3  }
0x36: {  	p1 =	seq.s32 s10, $0x1;
	s10 =	sld [smem:$0x3FB1];
	_ =	sdelay $0x3  }
0x37: {  	[smem:$0x3FB1] =	sst s10  }
0x38: {  	s10 =	sld [smem:$0x3FB2]  }
0x39: {  	_ = 	snop;
	(pc) =	sbr.ind lr, $3  }
0x3a: {  	_ = 	snop  }
0x3b: {  	_ = 	snop  }
0x3c: {  	p2 =	seq.s32 s10, $0x1;
	s10 =	sld [smem:$0x3FB1]  }
0x3d: {  	_ =	shalt  }
0x3e: {  	_ =	shalt  }
0x3f: {  	_ =	shalt  }
0x40: {  	_ =	shalt  }
0x41: {  	_ =	shalt  }
0x42: {  	_ =	shalt  }
0x43: {  	_ =	shalt  }
0x44: {  	_ =	shalt  }
0x45: {  	_ =	shalt  }
0x46: {  	_ =	shalt  }
0x47: {  	_ =	shalt  }
0x48: {  	_ =	shalt  }
0x49: {  	_ =	shalt  }
0x4a: {  	_ =	shalt  }
0x4b: {  	_ =	shalt  }
0x4c: {  	_ =	shalt  }
0x4d: {  	_ =	shalt  }
0x4e: {  	_ =	shalt  }
0x4f: {  	_ =	shalt  }
0x50: {  	_ =	shalt  }
0x51: {  	_ =	shalt  }
0x52: {  	_ =	shalt  }
0x53: {  	_ =	shalt  }
0x54: {  	_ =	shalt  }
0x55: {  	_ =	shalt  }
0x56: {  	_ =	shalt  }
0x57: {  	_ =	shalt  }
0x58: {  	_ =	shalt  }
0x59: {  	_ =	shalt  }
0x5a: {  	_ =	shalt  }
0x5b: {  	_ =	shalt  }
0x5c: {  	_ =	shalt  }
0x5d: {  	_ =	shalt  }
0x5e: {  	_ =	shalt  }
0x5f: {  	_ =	shalt  }
0x60: {  	_ =	shalt  }
0x61: {  	_ =	shalt  }
0x62: {  	_ =	shalt  }
0x63: {  	_ =	shalt  }
0x64: {  	_ =	shalt  }
0x65: {  	_ =	shalt  }
0x66: {  	_ =	shalt  }
0x67: {  	_ =	shalt  }
0x68: {  	_ =	shalt  }
0x69: {  	_ =	shalt  }
0x6a: {  	_ =	shalt  }
0x6b: {  	_ =	shalt  }
0x6c: {  	_ =	shalt  }
0x6d: {  	_ =	shalt  }
0x6e: {  	_ =	shalt  }
0x6f: {  	_ =	shalt  }
0x70: {  	_ =	shalt  }
0x71: {  	_ =	shalt  }
0x72: {  	_ =	shalt  }
0x73: {  	_ =	shalt  }
0x74: {  	_ =	shalt  }
0x75: {  	_ =	shalt  }
0x76: {  	_ =	shalt  }
0x77: {  	_ =	shalt  }
0x78: {  	_ =	shalt  }
0x79: {  	_ =	shalt  }
0x7a: {  	_ =	shalt  }
0x7b: {  	_ =	shalt  }
0x7c: {  	_ =	shalt  }
0x7d: {  	_ =	shalt  }
0x7e: {  	_ =	shalt  }
0x7f: {  	_ =	shalt  }
0x80: {  	_ =	shalt  }
0x81: {  	_ =	shalt  }
0x82: {  	_ =	shalt  }
0x83: {  	_ =	shalt  }
0x84: {  	_ =	shalt  }
0x85: {  	_ =	shalt  }
0x86: {  	_ =	shalt  }
0x87: {  	_ =	shalt  }
.Lfunc_end0:
.L_simem_size_0:
called_computation.1_lowered:
.L_overlay_start_0:
0x88: {  	s2 =	sld [smem:$0x3FD9]  }
0x89: {  	s3 =	sld [smem:$0x3FFE];
	_ =	sdelay $0x1  }
0x8a: {  	s1 =	srdreg.scid  }
0x8b: {  	s0 =	sand.u32 $0x1, s1  }
0x8c: {  	s17 =	sshll.u32 s0, $0xA;
	s2 =	sadd.s32 s3, s2  }
0x8d: {  	s2 =	sadd.s32 s2, s17  }
0x8e: {  	[smem:$0x3FBD] =	sst s2  }
0x8f: {  	_ = 	snop  }
0x90: {  	s18 =	sld [smem:$0x3FC4];
	(tm) =	ssettm $0x1  }
0x91: {  	s19 =	sld [smem:$0x3FFB];
	_ =	sdelay $0x3  }
0x92: {  	_ =	strace s19  }
0x93: {  	s2 =	sld [smem:$0x3FFC];
	_ =	sdelay $0x3  }
0x94: {  	_ =	strace s2  }
0x95: {  	s2 =	sld [smem:$0x3FFD];
	_ =	sdelay $0x3  }
0x96: {  	_ =	strace s2  }
0x97: {  	_ =	strace $0x8FFFFFFF  }
0x98: {  	s20 =	sld [smem:$0x3FDB];
	_ =	sdelay $0x1  }
0x99: {  	s4 =	simm.s32 $_scs_section_size  }
0x9a: {  	s5 =	simm.s32 $_size__tile_overlayer_lowered;
	s6 =	simm.s32 $_tile_overlayer_lowered  }
0x9b: {  	s7 =	simm.s32 $0x1BFF;
	s21 =	sshll.u32 s6, $0x1;
	s4 =	sadd.s32 s4, s20  }
0x9c: {  	s22 =	simm.s32 $0x0;
	s5 =	sshll.u32 s5, $0x1;
	s6 =	sadd.s32 s21, s4  }
0x9d: {  	[timem:s22], [sflag:s7] =	dma.local [hbm:s6], s5  }
0x9e: {  	_ =	swait.ge [sflag:s7], s5  }
0x9f: {  	s5 =	ssub.s32 $0x0, s5;
	[sflag:s7] =	ssyncset.done $0x0  }
0xa0: {  	[sflag:s7] =	ssyncadd.s32 s5;
	_ =	sdelay $0x1  }
0xa1: {  	s23 =	simm.s32 $0x1B8B  }
0xa2: {  	_ =	swait.ge [sflag:s23], $0x1  }
0xa3: {  	[sflag:s23] =	ssyncset.done $0x0  }
0xa4: {  	[sflag:s23] =	ssyncadd.s32 $0xFFFFFFFF  }
0xa5: {  	s5 =	sld [smem:$0x0]  }
0xa6: {  	s6 =	sand.u32 $0xFFFFFFFE, s1  }
0xa7: {  	p0 =	sne.s32 s1, s6  }
0xa8: {  	s6 =	sshll.u32 @p0 s6, $0xE  }
0xa9: {  	s6 =	sadd.s32 @p0 $0x11B8D, s6;
	s7 =	sshll.u32 @p0 s5, $0x11  }
0xaa: {  	s6 =	sor.u32 @p0 s7, s6  }
0xab: {  	[sflag:s6] =	ssyncadd.remote.s32 @p0 $0x1;
	_ =	sdelay $0x1  }
0xac: {  	s6 =	simm.s32 @p0 $0x1B8D  }
0xad: {  	_ =	swait.eq @p0 [sflag:s6], $0x1  }
0xae: {  	[sflag:s6] =	ssyncadd.s32 @p0 $0xFFFFFFFF  }
0xaf: {  	s7 =	sshll.u32 @!p0 s1, $0xE  }
0xb0: {  	s7 =	sor.u32 @!p0 $0x4000, s7;
	s6 =	simm.s32 @!p0 $0x1B8D  }
0xb1: {  	s5 =	sshll.u32 @!p0 s5, $0x11;
	s7 =	sadd.s32 @!p0 $0x11B8D, s7;
	_ =	swait.eq @!p0 [sflag:s6], $0x1  }
0xb2: {  	s5 =	sor.u32 @!p0 s5, s7;
	[sflag:s6] =	ssyncadd.s32 @!p0 $0xFFFFFFFF  }
0xb3: {  	s25 =	simm.s32 $0x1B8E;
	s24 =	sld [smem:$0x3FFE];
	[sflag:s5] =	ssyncadd.remote.s32 @!p0 $0x1  }
0xb4: {  	s26 =	simm.s32 $execute0_lowered;
	[smem:$0x3FD2] =	sst s25  }
0xb5: {  	s6 =	sshll.u32 s26, $0x1;
	_ =	strace $0x80000049;
	[dreg:$0x1] =	wrdreg $0xFFFFFFFF  }
0xb6: {  	s28 =	simm.s32 $_size_execute0_lowered;
	s4 =	sadd.s32 s4, s6;
	[dreg:$0x0] =	wrdreg $0x0  }
0xb7: {  	s6 =	sshll.u32 s28, $0x1;
	[dreg:$0x2] =	wrdreg s4  }
0xb8: {  	[dreg:$0x3] =	wrdreg s6  }
0xb9: {  	[dreg:$0x4] =	wrdreg $0xC0  }
0xba: {  	_ =	task [dreg:s22], $0x5FFFF  }
0xbb: {  	[dreg:$0x1] =	wrdreg $0xFFFFFFFF  }
0xbc: {  	[dreg:$0x0] =	wrdreg $0x60  }
0xbd: {  	[dreg:$0x2] =	wrdreg s24  }
0xbe: {  	[dreg:$0x3] =	wrdreg s18  }
0xbf: {  	[dreg:$0x4] =	wrdreg $0xA  }
0xc0: {  	_ =	task.clear_ibuf [dreg:s22], $0x5FFFF;
	_ =	strace $0x90000049  }
0xc1: {  	s29 =	simm.s32 $0xA;
	_ =	strace $0x8000004B  }
0xc2: {  	_ =	swait.ge [sflag:s29], $0x1  }
0xc3: {  	[sflag:s29] =	ssyncadd.s32 $0xFFFFFFFF  }
0xc4: {  	_ =	strace $0x9000004B  }
0xc5: {  	_ =	sfence  }
0xc6: {  	s30 =	sld [smem:$0x0];
	_ =	sdelay $0x2  }
0xc7: {  	s31 =	sshll.u32 s1, $0xD;
	s1 =	sshrl.u32 s1, $0x2  }
0xc8: {  	s4 =	sand.u32 $0x4000, s31;
	s1 =	sadd.s32 s1, s30  }
0xc9: {  	s0 =	sor.u32 s4, s0;
	s1 =	sshll.u32 s1, $0x11  }
0xca: {  	s0 =	sor.u32 s1, s0  }
0xcb: {  	s0 =	sadd.s32 $0x8F2B, s0  }
0xcc: {  	[sflag:s0] =	ssyncadd.remote.s32 $0x1  }
0xcd: {  	_ =	sfence.sel $0xFFFF  }
0xce: {  	[dreg:$0x0] =	wrdreg $0xFFFFFFFF;
	(pc) =	sbr.abs _section_cstart, $3  }
0xcf: {  	[dreg:$0x1] =	wrdreg $0xFFFFFFFF  }
0xd0: {  	_ =	task.clear_ibuf [dreg:s22], $0x2FFFF;
	_ =	strace $0x9FFFFFFF  }
0xd1: {  	(tm) =	ssettm $0x7FFFFFFF  }
tec
execute0_lowered:
.L_overlay_start_1:
0x0: {  	(tag) =	ssettag $0x1  }
0x1: {  	s0 =	rddreg [dreg:$0x0]  }
0x2: {  	s2 =	rddreg [dreg:$0x1];
	s4 =	srdreg.scid;
	s3 =	simm.s32 $0x0  }
0x3: {  	s1 =	stileid.u32;
	[smem:$0x7FF] =	sst s3;
	s7 =	sadd.s32 $0x2E00, s0  }
0x4: {  	s12 =	simm.s32 $0x4980;
	_ =	strace $0x8000004A;
	[dreg:$0x3] =	wrdreg s7  }
0x5: {  	s13 =	simm.s32 $0x5180;
	s14 =	simm.s32 $0x5980;
	[dreg:$0x9] =	wrdreg s12  }
0x6: {  	s15 =	simm.s32 $0x6180;
	s16 =	simm.s32 $0x6980;
	[dreg:$0xa] =	wrdreg s13  }
0x7: {  	s18 =	simm.s32 $0x7180;
	s19 =	simm.s32 $0x7980;
	[dreg:$0xb] =	wrdreg s14  }
0x8: {  	s21 =	simm.s32 $0x8180;
	s22 =	simm.s32 $0x8980;
	[dreg:$0xc] =	wrdreg s15  }
0x9: {  	s23 =	simm.s32 $0x9180;
	s24 =	simm.s32 $0x9980;
	[dreg:$0xd] =	wrdreg s16  }
0xa: {  	s25 =	simm.s32 $0xA180;
	s28 =	simm.s32 $0x13180;
	[dreg:$0xe] =	wrdreg s18  }
0xb: {  	s29 =	simm.s32 $0x13980;
	s30 =	simm.s32 $0x1;
	[dreg:$0xf] =	wrdreg s19  }
0xc: {  	s31 =	simm.s32 $0x2;
	s4 =	sand.u32 $0x1, s4;
	[dreg:$0x10] =	wrdreg s21  }
0xd: {  	s5 =	sshll.u32 s1, $0x8;
	s26 =	sadd.s32 $0x72E00, s0;
	[dreg:$0x11] =	wrdreg s22  }
0xe: {  	s10 =	sadd.s32 $0x73000, s0;
	s6 =	sshll.u32 s4, $0x7;
	[dreg:$0x12] =	wrdreg s23  }
0xf: {  	s4 =	ssub.s32 $0x2, s4;
	s7 =	simm.s32 $0x4;
	[dreg:$0x13] =	wrdreg s24  }
0x10: {  	[dreg:$0x14] =	wrdreg s25;
	s12 =	simm.s32 $0xB980;
	s13 =	simm.s32 $0xC180  }
0x11: {  	s14 =	simm.s32 $0xC980;
	s15 =	simm.s32 $0xD180;
	s16 =	simm.s32 $0xD980  }
0x12: {  	s18 =	simm.s32 $0xE980;
	s19 =	simm.s32 $0xF180;
	s21 =	simm.s32 $0x10180  }
0x13: {  	s22 =	simm.s32 $0x10980;
	s23 =	simm.s32 $0x11180;
	s24 =	simm.s32 $0x11980  }
0x14: {  	s25 =	simm.s32 $0x12180;
	s5 =	sor.u32 s6, s5;
	s17 =	sshrl.u32 s4, $0x1  }
0x15: {  	s6 =	sor.u32 $0x40, s5;
	s8 =	sshll.u32 s5, $0x4;
	s11 =	sshll.u32 s5, $0x6  }
0x16: {  	s20 =	sshrl.u32 s5, $0x3;
	s5 =	sadd.s32 $0x100, s2;
	s1 =	sadd.s32 s10, s11  }
0x17: {  	s9 =	sshrl.u32 s6, $0x3;
	s11 =	simm.s32 $0x100;
	[dreg:$0x5] =	wrdreg s1  }
0x18: {  	s6 =	sshll.u32 s6, $0x6;
	s9 =	sadd.s32 s26, s9;
	[dreg:$0x8] =	wrdreg s11  }
0x19: {  	s0 =	sadd.s32 s8, s0;
	s6 =	sadd.s32 s10, s6;
	[dreg:$0x4] =	wrdreg s9  }
0x1a: {  	s8 =	simm.s32 $0x80;
	s0 =	sadd.s32 $0xB3000, s0;
	[dreg:$0x6] =	wrdreg s6  }
0x1b: {  	s10 =	simm.s32 $0x4180;
	[dreg:$0x7] =	wrdreg s0;
	s6 =	ssub.s32 s4, s17  }
0x1c: {  	v2 =	vlaneseq.u32;
	s4 =	sadd.s32 s26, s20;
	s26 =	simm.s32 $0xA980;
	s9 =	simm.s32 $0x180  }
0x1d: {  	vm0 =	vmmov $0xffff;
	v1 =	vshrl.u32 v2, $0x3;
	s17 =	simm.s32 $0xE180;
	s20 =	simm.s32 $0xF980;
	s0 =	simm.s32 $0x3  }
0x1e: {  	v0 =	vand.u32 $0x7, v2;
	v2 =	vor.u32 $0x8, v2;
	v1 =	vmul.u32 $0x8, v1;
	s6 =	smax.u32 s6, $0x1;
	[dreg:$0x15] =	wrdreg s26;
	s26 =	simm.s32 $0x12980  }
.LBB2_1:
0x1f: {  	[tilespmem:s3], [sflag:$0x4] =	stream.linear.gather [hbm4b:s4+s3], $0x80, $0x38;
	[tilespmem:$0x14180] =	vst v63  }
0x20: {  	_ =	swait.ge [sflag:s7], $0x80  }
0x21: {  	[sflag:s7] =	ssyncset.done $0x0  }
0x22: {  	[sflag:s7] =	ssyncadd.s32 $0xFFFFFF80  }
0x23: {  	[tilespmem:s8], [sflag:$0x4] =	stream.linear.gather [hbm4b:s4+s3], $0x40, $0x38;
	[tilespmem:$0x14180] =	vst v63  }
0x24: {  	_ =	swait.ge [sflag:s7], $0x40  }
0x25: {  	s1 =	rddreg [dreg:$0x4];
	[sflag:s7] =	ssyncset.done $0x0  }
0x26: {  	s11 =	rddreg [dreg:$0x8];
	[sflag:s7] =	ssyncadd.s32 $0xFFFFFFC0  }
0x27: {  	[tilespmem:s11], [sflag:$0x4] =	stream.linear.gather [hbm4b:s1+s3], $0x40, $0x38;
	[tilespmem:$0x14180] =	vst v63  }
0x28: {  	_ =	swait.ge [sflag:s7], $0x40  }
0x29: {  	[sflag:s7] =	ssyncset.done $0x0  }
0x2a: {  	s11 =	rddreg [dreg:$0x3];
	[sflag:s7] =	ssyncadd.s32 $0xFFFFFFC0  }
0x2b: {  	[tilespmem:s9], [sflag:$0x3] =	stream.indirect.gather [hbm4b:s11+s8], $0x80, s3, s8, $0xb8;
	[tilespmem:$0x14180] =	vst v63  }
0x2c: {  	v3 =	vld [tilespmem:$0x80];
	_ =	sdelay $0x4  }
0x2d: {  	v4 =	vshll.u32 v3, $0x2  }
0x2e: {  	v3 =	vand.u32 $0x7, v3;
	v4 =	vand.u32 $0xFFFFFFE0, v4  }
0x2f: {  	v3 =	vor.u32 v3, v4  }
0x30: {  	v4 =	vperm.xlane v3, v0;
	_ =	sdelay $0x1  }
0x31: {  	v4 =	vadd.s32 v1, v4;
	_ =	sdelay $0x1  }
0x32: {  	v3 =	vperm.xlane v3, v2;
	_ =	sdelay $0x1  }
0x33: {  	v3 =	vadd.s32 v1, v3  }
0x34: {  	[tilespmem:s10], [sflag:$0x1] =	stream.indirect_vreg.gather [hbm4b:s2+s3], $0x80, v4, vm0, $0xb8;
	[tilespmem:$0x14180] =	vst v63  }
0x35: {  	s1 =	rddreg [dreg:$0x9]  }
0x36: {  	[tilespmem:s1], [sflag:$0x1] =	stream.indirect_vreg.gather [hbm4b:s5+s3], $0x80, v4, vm0, $0xb8;
	[tilespmem:$0x14180] =	vst v63  }
0x37: {  	s11 =	rddreg [dreg:$0xa]  }
0x38: {  	[tilespmem:s11], [sflag:$0x1] =	stream.indirect_vreg.gather [hbm4b:s2+s3], $0x80, v3, vm0, $0xb8;
	[tilespmem:$0x14180] =	vst v63  }
0x39: {  	s1 =	rddreg [dreg:$0xb]  }
0x3a: {  	[tilespmem:s1], [sflag:$0x1] =	stream.indirect_vreg.gather [hbm4b:s5+s3], $0x80, v3, vm0, $0xb8;
	[tilespmem:$0x14180] =	vst v63  }
0x3b: {  	v3 =	vld [tilespmem:$0x90];
	_ =	sdelay $0x4  }
0x3c: {  	v57 =	vshll.u32 v3, $0x2  }
0x3d: {  	v3 =	vand.u32 $0x7, v3;
	v4 =	vand.u32 $0xFFFFFFE0, v57  }
0x3e: {  	v3 =	vor.u32 v3, v4  }
0x3f: {  	v4 =	vperm.xlane v3, v0;
	_ =	sdelay $0x1  }
0x40: {  	v4 =	vadd.s32 v1, v4;
	_ =	sdelay $0x1  }
0x41: {  	v3 =	vperm.xlane v3, v2;
	_ =	sdelay $0x1  }
0x42: {  	s1 =	rddreg [dreg:$0xc];
	v3 =	vadd.s32 v1, v3  }
0x43: {  	[tilespmem:s1], [sflag:$0x1] =	stream.indirect_vreg.gather [hbm4b:s2+s3], $0x80, v4, vm0, $0xb8;
	[tilespmem:$0x14180] =	vst v63  }
0x44: {  	s11 =	rddreg [dreg:$0xd]  }
0x45: {  	[tilespmem:s11], [sflag:$0x1] =	stream.indirect_vreg.gather [hbm4b:s5+s3], $0x80, v4, vm0, $0xb8;
	[tilespmem:$0x14180] =	vst v63  }
0x46: {  	s1 =	rddreg [dreg:$0xe]  }
0x47: {  	[tilespmem:s1], [sflag:$0x1] =	stream.indirect_vreg.gather [hbm4b:s2+s3], $0x80, v3, vm0, $0xb8;
	[tilespmem:$0x14180] =	vst v63  }
0x48: {  	s11 =	rddreg [dreg:$0xf]  }
0x49: {  	[tilespmem:s11], [sflag:$0x1] =	stream.indirect_vreg.gather [hbm4b:s5+s3], $0x80, v3, vm0, $0xb8;
	[tilespmem:$0x14180] =	vst v63  }
0x4a: {  	v3 =	vld [tilespmem:$0xA0];
	_ =	sdelay $0x4  }
0x4b: {  	v58 =	vshll.u32 v3, $0x2  }
0x4c: {  	v3 =	vand.u32 $0x7, v3;
	v4 =	vand.u32 $0xFFFFFFE0, v58  }
0x4d: {  	v3 =	vor.u32 v3, v4  }
0x4e: {  	v4 =	vperm.xlane v3, v0;
	_ =	sdelay $0x1  }
0x4f: {  	v4 =	vadd.s32 v1, v4;
	_ =	sdelay $0x1  }
0x50: {  	v3 =	vperm.xlane v3, v2;
	_ =	sdelay $0x1  }
0x51: {  	s1 =	rddreg [dreg:$0x10];
	v3 =	vadd.s32 v1, v3  }
0x52: {  	[tilespmem:s1], [sflag:$0x1] =	stream.indirect_vreg.gather [hbm4b:s2+s3], $0x80, v4, vm0, $0xb8;
	[tilespmem:$0x14180] =	vst v63  }
0x53: {  	s11 =	rddreg [dreg:$0x11]  }
0x54: {  	[tilespmem:s11], [sflag:$0x1] =	stream.indirect_vreg.gather [hbm4b:s5+s3], $0x80, v4, vm0, $0xb8;
	[tilespmem:$0x14180] =	vst v63  }
0x55: {  	s1 =	rddreg [dreg:$0x12]  }
0x56: {  	[tilespmem:s1], [sflag:$0x1] =	stream.indirect_vreg.gather [hbm4b:s2+s3], $0x80, v3, vm0, $0xb8;
	[tilespmem:$0x14180] =	vst v63  }
0x57: {  	s11 =	rddreg [dreg:$0x13]  }
0x58: {  	[tilespmem:s11], [sflag:$0x1] =	stream.indirect_vreg.gather [hbm4b:s5+s3], $0x80, v3, vm0, $0xb8;
	[tilespmem:$0x14180] =	vst v63  }
0x59: {  	v3 =	vld [tilespmem:$0xB0];
	_ =	sdelay $0x4  }
0x5a: {  	v59 =	vshll.u32 v3, $0x2  }
0x5b: {  	v3 =	vand.u32 $0x7, v3;
	v4 =	vand.u32 $0xFFFFFFE0, v59  }
0x5c: {  	v3 =	vor.u32 v3, v4  }
0x5d: {  	v4 =	vperm.xlane v3, v0;
	_ =	sdelay $0x1  }
0x5e: {  	v4 =	vadd.s32 v1, v4;
	_ =	sdelay $0x1  }
0x5f: {  	v3 =	vperm.xlane v3, v2;
	_ =	sdelay $0x1  }
0x60: {  	s1 =	rddreg [dreg:$0x14];
	v3 =	vadd.s32 v1, v3  }
0x61: {  	[tilespmem:s1], [sflag:$0x1] =	stream.indirect_vreg.gather [hbm4b:s2+s3], $0x80, v4, vm0, $0xb8;
	[tilespmem:$0x14180] =	vst v63  }
0x62: {  	s11 =	rddreg [dreg:$0x15]  }
0x63: {  	[tilespmem:s11], [sflag:$0x1] =	stream.indirect_vreg.gather [hbm4b:s5+s3], $0x80, v4, vm0, $0xb8;
	[tilespmem:$0x14180] =	vst v63  }
0x64: {  	s11 =	simm.s32 $0xB180  }
0x65: {  	[tilespmem:s11], [sflag:$0x1] =	stream.indirect_vreg.gather [hbm4b:s2+s3], $0x80, v3, vm0, $0xb8;
	[tilespmem:$0x14180] =	vst v63  }
0x66: {  	_ = 	snop  }
0x67: {  	[tilespmem:s12], [sflag:$0x1] =	stream.indirect_vreg.gather [hbm4b:s5+s3], $0x80, v3, vm0, $0xb8;
	[tilespmem:$0x14180] =	vst v63  }
0x68: {  	v3 =	vld [tilespmem:$0x100];
	_ =	sdelay $0x4  }
0x69: {  	v60 =	vshll.u32 v3, $0x2  }
0x6a: {  	v3 =	vand.u32 $0x7, v3;
	v4 =	vand.u32 $0xFFFFFFE0, v60  }
0x6b: {  	v3 =	vor.u32 v3, v4  }
0x6c: {  	v4 =	vperm.xlane v3, v0;
	_ =	sdelay $0x1  }
0x6d: {  	v4 =	vadd.s32 v1, v4;
	_ =	sdelay $0x1  }
0x6e: {  	v3 =	vperm.xlane v3, v2;
	_ =	sdelay $0x1  }
0x6f: {  	v3 =	vadd.s32 v1, v3  }
0x70: {  	[tilespmem:s13], [sflag:$0x2] =	stream.indirect_vreg.gather [hbm4b:s2+s3], $0x80, v4, vm0, $0xb8;
	[tilespmem:$0x14180] =	vst v63  }
0x71: {  	_ = 	snop  }
0x72: {  	[tilespmem:s14], [sflag:$0x2] =	stream.indirect_vreg.gather [hbm4b:s5+s3], $0x80, v4, vm0, $0xb8;
	[tilespmem:$0x14180] =	vst v63  }
0x73: {  	_ = 	snop  }
0x74: {  	[tilespmem:s15], [sflag:$0x2] =	stream.indirect_vreg.gather [hbm4b:s2+s3], $0x80, v3, vm0, $0xb8;
	[tilespmem:$0x14180] =	vst v63  }
0x75: {  	_ = 	snop  }
0x76: {  	[tilespmem:s16], [sflag:$0x2] =	stream.indirect_vreg.gather [hbm4b:s5+s3], $0x80, v3, vm0, $0xb8;
	[tilespmem:$0x14180] =	vst v63  }
0x77: {  	v3 =	vld [tilespmem:$0x110];
	_ =	sdelay $0x4  }
0x78: {  	v61 =	vshll.u32 v3, $0x2  }
0x79: {  	v3 =	vand.u32 $0x7, v3;
	v4 =	vand.u32 $0xFFFFFFE0, v61  }
0x7a: {  	v3 =	vor.u32 v3, v4  }
0x7b: {  	v4 =	vperm.xlane v3, v0;
	_ =	sdelay $0x1  }
0x7c: {  	v4 =	vadd.s32 v1, v4;
	_ =	sdelay $0x1  }
0x7d: {  	v3 =	vperm.xlane v3, v2;
	_ =	sdelay $0x1  }
0x7e: {  	v3 =	vadd.s32 v1, v3  }
0x7f: {  	[tilespmem:s17], [sflag:$0x2] =	stream.indirect_vreg.gather [hbm4b:s2+s3], $0x80, v4, vm0, $0xb8;
	[tilespmem:$0x14180] =	vst v63  }
0x80: {  	_ = 	snop  }
0x81: {  	[tilespmem:s18], [sflag:$0x2] =	stream.indirect_vreg.gather [hbm4b:s5+s3], $0x80, v4, vm0, $0xb8;
	[tilespmem:$0x14180] =	vst v63  }
0x82: {  	_ = 	snop  }
0x83: {  	[tilespmem:s19], [sflag:$0x2] =	stream.indirect_vreg.gather [hbm4b:s2+s3], $0x80, v3, vm0, $0xb8;
	[tilespmem:$0x14180] =	vst v63  }
0x84: {  	_ = 	snop  }
0x85: {  	[tilespmem:s20], [sflag:$0x2] =	stream.indirect_vreg.gather [hbm4b:s5+s3], $0x80, v3, vm0, $0xb8;
	[tilespmem:$0x14180] =	vst v63  }
0x86: {  	v3 =	vld [tilespmem:$0x120];
	_ =	sdelay $0x4  }
0x87: {  	v62 =	vshll.u32 v3, $0x2  }
0x88: {  	v3 =	vand.u32 $0x7, v3;
	v4 =	vand.u32 $0xFFFFFFE0, v62  }
0x89: {  	v3 =	vor.u32 v3, v4  }
0x8a: {  	v4 =	vperm.xlane v3, v0;
	_ =	sdelay $0x1  }
0x8b: {  	v4 =	vadd.s32 v1, v4;
	_ =	sdelay $0x1  }
0x8c: {  	v3 =	vperm.xlane v3, v2;
	_ =	sdelay $0x1  }
0x8d: {  	v3 =	vadd.s32 v1, v3  }
0x8e: {  	[tilespmem:s21], [sflag:$0x2] =	stream.indirect_vreg.gather [hbm4b:s2+s3], $0x80, v4, vm0, $0xb8;
	[tilespmem:$0x14180] =	vst v63  }
0x8f: {  	_ = 	snop  }
0x90: {  	[tilespmem:s22], [sflag:$0x2] =	stream.indirect_vreg.gather [hbm4b:s5+s3], $0x80, v4, vm0, $0xb8;
	[tilespmem:$0x14180] =	vst v63  }
0x91: {  	_ = 	snop  }
0x92: {  	[tilespmem:s23], [sflag:$0x2] =	stream.indirect_vreg.gather [hbm4b:s2+s3], $0x80, v3, vm0, $0xb8;
	[tilespmem:$0x14180] =	vst v63  }
0x93: {  	_ = 	snop  }
0x94: {  	[tilespmem:s24], [sflag:$0x2] =	stream.indirect_vreg.gather [hbm4b:s5+s3], $0x80, v3, vm0, $0xb8;
	[tilespmem:$0x14180] =	vst v63  }
0x95: {  	v3 =	vld [tilespmem:$0x130];
	_ =	sdelay $0x4  }
0x96: {  	v63 =	vshll.u32 v3, $0x2  }
0x97: {  	v3 =	vand.u32 $0x7, v3;
	v4 =	vand.u32 $0xFFFFFFE0, v63  }
0x98: {  	v3 =	vor.u32 v3, v4  }
0x99: {  	v4 =	vperm.xlane v3, v0;
	_ =	sdelay $0x1  }
0x9a: {  	v4 =	vadd.s32 v1, v4;
	_ =	sdelay $0x1  }
0x9b: {  	v3 =	vperm.xlane v3, v2;
	_ =	sdelay $0x1  }
0x9c: {  	v3 =	vadd.s32 v1, v3  }
0x9d: {  	[tilespmem:s25], [sflag:$0x2] =	stream.indirect_vreg.gather [hbm4b:s2+s3], $0x80, v4, vm0, $0xb8;
	[tilespmem:$0x14180] =	vst v63  }
0x9e: {  	_ = 	snop  }
0x9f: {  	[tilespmem:s26], [sflag:$0x2] =	stream.indirect_vreg.gather [hbm4b:s5+s3], $0x80, v4, vm0, $0xb8;
	[tilespmem:$0x14180] =	vst v63  }
0xa0: {  	_ = 	snop  }
0xa1: {  	[tilespmem:s28], [sflag:$0x2] =	stream.indirect_vreg.gather [hbm4b:s2+s3], $0x80, v3, vm0, $0xb8;
	[tilespmem:$0x14180] =	vst v63  }
0xa2: {  	_ = 	snop  }
0xa3: {  	[tilespmem:s29], [sflag:$0x2] =	stream.indirect_vreg.gather [hbm4b:s5+s3], $0x80, v3, vm0, $0xb8;
	[tilespmem:$0x14180] =	vst v63  }
0xa4: {  	_ =	swait.ge [sflag:s30], $0x8000  }
0xa5: {  	[sflag:s30] =	ssyncset.done $0x0  }
0xa6: {  	s11 =	rddreg [dreg:$0x5];
	[sflag:s30] =	ssyncadd.s32 $0xFFFF8000  }
0xa7: {  	[hbm4b:s11+s3] =	stream.linear.scatter [tilespmem:s10], [sflag:$0x4], $0x8000, $0x38;
	[tilespmem:$0x14180] =	vst v63  }
0xa8: {  	_ =	swait.ge [sflag:s7], $0x8000  }
0xa9: {  	[sflag:s7] =	ssyncset.done $0x0  }
0xaa: {  	[sflag:s7] =	ssyncadd.s32 $0xFFFF8000  }
0xab: {  	_ =	swait.ge [sflag:s31], $0x8000  }
0xac: {  	[sflag:s31] =	ssyncset.done $0x0  }
0xad: {  	s11 =	rddreg [dreg:$0x6];
	[sflag:s31] =	ssyncadd.s32 $0xFFFF8000  }
0xae: {  	[hbm4b:s11+s3] =	stream.linear.scatter [tilespmem:s13], [sflag:$0x4], $0x8000, $0x38;
	[tilespmem:$0x14180] =	vst v63  }
0xaf: {  	_ =	swait.ge [sflag:s7], $0x8000  }
0xb0: {  	[sflag:s7] =	ssyncset.done $0x0  }
0xb1: {  	[sflag:s7] =	ssyncadd.s32 $0xFFFF8000  }
0xb2: {  	_ =	swait.ge [sflag:s0], $0x4000  }
0xb3: {  	p0 =	sne.s32 s6, $0x1;
	[sflag:s0] =	ssyncset.done $0x0  }
.Ltmp0:
0xb4: {  	s11 =	rddreg [dreg:$0x7];
	[sflag:s0] =	ssyncadd.s32 $0xFFFFC000;
	(pc) =	sbr.rel @p0 .LBB2_1-.Ltmp0, $4  }
0xb5: {  	[hbm4b:s11+s3] =	stream.linear.scatter [tilespmem:s9], [sflag:$0x4], $0x4000, $0x38;
	[tilespmem:$0x14180] =	vst v63  }
0xb6: {  	_ =	swait.ge [sflag:s7], $0x4000  }
0xb7: {  	[sflag:s7] =	ssyncset.done $0x0  }
0xb8: {  	s6 =	sadd.s32 $0xFFFFFFFF, s6;
	[sflag:s7] =	ssyncadd.s32 $0xFFFFC000  }
0xb9: {  	_ =	sfence.sel $0x180000  }
0xba: {  	[bflag:$0x0] =	sbarrier.arrive $0xFFFF  }
0xbb: {  	_ =	strace $0x9000004A  }
0xbc: {  	s0 =	stileid.u32;
	[bflag:$0x2] =	sbarrier.arrive $0xFFFF  }
0xbd: {  	p0 =	sne.s32 s0, $0x0;
	s0 =	rddreg [dreg:$0x2]  }
0xbe: {  	s0 =	sadd.s32 @!p0 $0x100000, s0  }
0xbf: {  	[sflag:s0] =	ssyncadd.tile.s32 @!p0 $0x1;
	_ =	shalt  }
.Lfunc_end2:
_tile_overlayer_lowered:
.L_overlay_start_2:
0xc0: {  	(tag) =	ssettag $0x2  }
0xc1: {  	s0 =	rddreg [dreg:$0x0];
	s2 =	stileid.u32  }
0xc2: {  	s1 =	rddreg [dreg:$0x1];
	p0 =	sne.s32 s2, $0x0  }
0xc3: {  	s3 =	rddreg [dreg:$0x2];
	[bflag:$0x3] =	sbarrier.arrive $0xFFFF;
	s2 =	simm.s32 @!p0 $0x1C04  }
0xc4: {  	[timem:s3], [sflag:s2] =	dma.local @!p0 [hbm:s0], s1  }
0xc5: {  	s0 =	simm.s32 @!p0 $0x4  }
0xc6: {  	_ =	swait.ge @!p0 [sflag:s0], s1  }
0xc7: {  	s1 =	ssub.s32 @!p0 $0x0, s1;
	[sflag:s0] =	ssyncset.done @!p0 $0x0  }
0xc8: {  	[sflag:s0] =	ssyncadd.s32 @!p0 s1  }
0xc9: {  	[bflag:$0x3] =	sbarrier.arrive $0xFFFF  }
0xca: {  	_ =	shalt  }

// kernel: kernel.8.cloned.1.call-start
scs
__scs_entry_jumppad:
0x0: {  	(pc) =	sbr.rel $0x88, $3  }
0x1: {  	(tag) =	ssettag $0x0;
	lr =	simm.s32 $0x1  }
0x2: {  	[smem:$0x3F96] =	sst lr;
	_ =	strace $0xD0000000  }
0x3: {  	_ = 	snop  }
0x4: {  	_ = 	snop  }
0x5: {  	_ = 	snop  }
0x6: {  	_ = 	snop  }
0x7: {  	_ = 	snop  }
__scs_overlays_trampoline_lowered:
0x8: {  	[smem:$0x3FA5] =	sst s0  }
0x9: {  	[smem:$0x3FA6] =	sst s1  }
0xa: {  	[smem:$0x3FA7] =	sst s2  }
0xb: {  	[smem:$0x3FA8] =	sst s3  }
0xc: {  	[smem:$0x3FA9] =	sst s4  }
0xd: {  	[smem:$0x3FAA] =	sst s5  }
0xe: {  	[smem:$0x3FAB] =	sst s6  }
0xf: {  	[smem:$0x3FAC] =	sst s7  }
0x10: {  	[smem:$0x3FAD] =	sst s8  }
0x11: {  	[smem:$0x3FAE] =	sst s9;
	s0 =	simm.s32 @!p0 $0x0  }
0x12: {  	s1 =	sld [smem:$0x3F94];
	s0 =	simm.s32 @p0 $0x1  }
0x13: {  	[smem:$0x3FAF] =	sst s0;
	s0 =	simm.s32 @!p1 $0x0  }
0x14: {  	s2 =	sld [smem:$0x3F93];
	s0 =	simm.s32 @p1 $0x1  }
0x15: {  	[smem:$0x3FB0] =	sst s0;
	s0 =	simm.s32 @!p2 $0x0  }
0x16: {  	s3 =	sld [smem:$0x3FDB];
	s0 =	simm.s32 @p2 $0x1  }
0x17: {  	s4 =	simm.s32 $0x1BF5;
	[smem:$0x3FB2] =	sst s0  }
0x18: {  	s0 =	sld [smem:$0x3F95];
	_ =	swait.ge [sflag:s4], $0x0  }
0x19: {  	s7 =	sld [smem:$0x3F96]  }
0x1a: {  	s8 =	sadd.s32 $0xFFFFE003, lr  }
0x1b: {  	s9 =	sadd.s32 $0xFFFFFEF7, lr;
	s5 =	simm.s32 $0xFFFFFFFF;
	p2 =	slt.u32 s8, $0xFFFFF086  }
0x1c: {  	p1 =	slt.u32 s9, $0xF7A;
	s5 =	simm.s32 @!p2 $0x0  }
0x1d: {  	s5 =	simm.s32 @p1 $0x1;
	p0 =	seq.s32 s7, s2  }
0x1e: {  	s7 =	smul.u32 @!p0 $0xF7A, s2;
	p2 =	seq.s32 @!p0 s5, $0x0  }
0x1f: {  	s9 =	smul.u32 $0xF7A, s1;
	s8 =	simm.s32 @!p0 $0x1BF5;
	p2 =	por !p2, p0  }
0x20: {  	[sflag:s8] =	ssyncset.s32 @!p0 $0xFFFFF086;
	s6 =	sadd.s32 @!p0 s3, s7;
	s7 =	simm.s32 @!p0 $0x108  }
0x21: {  	s3 =	sadd.s32 s3, s9;
	s6 =	sadd.s32 @!p0 $0x88, s6;
	s7 =	simm.s32 @p2 $0x1082  }
0x22: {  	[simem:s7], [sflag:s8] =	dma.local @!p0 [hbm:s6], $0xF7A  }
0x23: {  	s9 =	sor.u32 $0xD0000000, s2;
	s6 =	simm.s32 $0x108;
	_ =	swait.ge @!p0 [sflag:s8], $0x0  }
0x24: {  	s3 =	sadd.s32 $0x88, s3;
	s6 =	simm.s32 @!p1 $0x1082;
	[sflag:s4] =	ssyncset.s32 $0xFFFFF086  }
0x25: {  	[simem:s6], [sflag:s4] =	dma.local [hbm:s3], $0xF7A  }
0x26: {  	[smem:$0x3F96] =	sst s1;
	(tag) =	ssettag s2;
	_ =	strace s9  }
0x27: {  	s1 =	sld [smem:$0x3FA6]  }
0x28: {  	s2 =	sld [smem:$0x3FA7]  }
0x29: {  	s4 =	sld [smem:$0x3FA9]  }
0x2a: {  	p0 =	seq.s32 s5, $0x0;
	s5 =	sld [smem:$0x3FAA]  }
0x2b: {  	s6 =	sld [smem:$0x3FAB]  }
0x2c: {  	s7 =	sld [smem:$0x3FAC]  }
0x2d: {  	s3 =	simm.s32 $0x108;
	s8 =	sld [smem:$0x3FAD]  }
0x2e: {  	s3 =	simm.s32 @!p0 $0x1082;
	s9 =	sld [smem:$0x3FAE]  }
0x2f: {  	lr =	sadd.s32 s0, s3;
	s0 =	sld [smem:$0x3FA5]  }
0x30: {  	s3 =	sld [smem:$0x3FA8]  }
0x31: {  	[smem:$0x3FB1] =	sst s10  }
0x32: {  	s10 =	sld [smem:$0x3FAF];
	_ =	sdelay $0x3  }
0x33: {  	p0 =	seq.s32 s10, $0x1;
	s10 =	sld [smem:$0x3FB1];
	_ =	sdelay $0x3  }
0x34: {  	[smem:$0x3FB1] =	sst s10  }
0x35: {  	s10 =	sld [smem:$0x3FB0];
	_ =	sdelay $0x3  }
0x36: {  	p1 =	seq.s32 s10, $0x1;
	s10 =	sld [smem:$0x3FB1];
	_ =	sdelay $0x3  }
0x37: {  	[smem:$0x3FB1] =	sst s10  }
0x38: {  	s10 =	sld [smem:$0x3FB2]  }
0x39: {  	_ = 	snop;
	(pc) =	sbr.ind lr, $3  }
0x3a: {  	_ = 	snop  }
0x3b: {  	_ = 	snop  }
0x3c: {  	p2 =	seq.s32 s10, $0x1;
	s10 =	sld [smem:$0x3FB1]  }
0x3d: {  	_ =	shalt  }
0x3e: {  	_ =	shalt  }
0x3f: {  	_ =	shalt  }
0x40: {  	_ =	shalt  }
0x41: {  	_ =	shalt  }
0x42: {  	_ =	shalt  }
0x43: {  	_ =	shalt  }
0x44: {  	_ =	shalt  }
0x45: {  	_ =	shalt  }
0x46: {  	_ =	shalt  }
0x47: {  	_ =	shalt  }
0x48: {  	_ =	shalt  }
0x49: {  	_ =	shalt  }
0x4a: {  	_ =	shalt  }
0x4b: {  	_ =	shalt  }
0x4c: {  	_ =	shalt  }
0x4d: {  	_ =	shalt  }
0x4e: {  	_ =	shalt  }
0x4f: {  	_ =	shalt  }
0x50: {  	_ =	shalt  }
0x51: {  	_ =	shalt  }
0x52: {  	_ =	shalt  }
0x53: {  	_ =	shalt  }
0x54: {  	_ =	shalt  }
0x55: {  	_ =	shalt  }
0x56: {  	_ =	shalt  }
0x57: {  	_ =	shalt  }
0x58: {  	_ =	shalt  }
0x59: {  	_ =	shalt  }
0x5a: {  	_ =	shalt  }
0x5b: {  	_ =	shalt  }
0x5c: {  	_ =	shalt  }
0x5d: {  	_ =	shalt  }
0x5e: {  	_ =	shalt  }
0x5f: {  	_ =	shalt  }
0x60: {  	_ =	shalt  }
0x61: {  	_ =	shalt  }
0x62: {  	_ =	shalt  }
0x63: {  	_ =	shalt  }
0x64: {  	_ =	shalt  }
0x65: {  	_ =	shalt  }
0x66: {  	_ =	shalt  }
0x67: {  	_ =	shalt  }
0x68: {  	_ =	shalt  }
0x69: {  	_ =	shalt  }
0x6a: {  	_ =	shalt  }
0x6b: {  	_ =	shalt  }
0x6c: {  	_ =	shalt  }
0x6d: {  	_ =	shalt  }
0x6e: {  	_ =	shalt  }
0x6f: {  	_ =	shalt  }
0x70: {  	_ =	shalt  }
0x71: {  	_ =	shalt  }
0x72: {  	_ =	shalt  }
0x73: {  	_ =	shalt  }
0x74: {  	_ =	shalt  }
0x75: {  	_ =	shalt  }
0x76: {  	_ =	shalt  }
0x77: {  	_ =	shalt  }
0x78: {  	_ =	shalt  }
0x79: {  	_ =	shalt  }
0x7a: {  	_ =	shalt  }
0x7b: {  	_ =	shalt  }
0x7c: {  	_ =	shalt  }
0x7d: {  	_ =	shalt  }
0x7e: {  	_ =	shalt  }
0x7f: {  	_ =	shalt  }
0x80: {  	_ =	shalt  }
0x81: {  	_ =	shalt  }
0x82: {  	_ =	shalt  }
0x83: {  	_ =	shalt  }
0x84: {  	_ =	shalt  }
0x85: {  	_ =	shalt  }
0x86: {  	_ =	shalt  }
0x87: {  	_ =	shalt  }
.Lfunc_end0:
.L_simem_size_0:
called_computation_lowered:
.L_overlay_start_0:
0x88: {  	s2 =	sld [smem:$0x3FD9]  }
0x89: {  	s3 =	sld [smem:$0x3FFE];
	_ =	sdelay $0x1  }
0x8a: {  	s1 =	srdreg.scid  }
0x8b: {  	s0 =	sand.u32 $0x1, s1  }
0x8c: {  	s17 =	sshll.u32 s0, $0xA;
	s2 =	sadd.s32 s3, s2  }
0x8d: {  	s2 =	sadd.s32 s2, s17  }
0x8e: {  	[smem:$0x3FBD] =	sst s2  }
0x8f: {  	_ = 	snop  }
0x90: {  	s2 =	sld [smem:$0x3FC4];
	(tm) =	ssettm $0x1  }
0x91: {  	s18 =	sld [smem:$0x3FFB];
	_ =	sdelay $0x3  }
0x92: {  	_ =	strace s18  }
0x93: {  	s3 =	sld [smem:$0x3FFC];
	_ =	sdelay $0x3  }
0x94: {  	_ =	strace s3  }
0x95: {  	s3 =	sld [smem:$0x3FFD];
	_ =	sdelay $0x3  }
0x96: {  	_ =	strace s3  }
0x97: {  	_ =	strace $0x8FFFFFFF  }
0x98: {  	s19 =	sld [smem:$0x3FDB];
	_ =	sdelay $0x1  }
0x99: {  	s4 =	simm.s32 $_scs_section_size  }
0x9a: {  	s5 =	simm.s32 $_size__tile_overlayer_lowered;
	s6 =	simm.s32 $_tile_overlayer_lowered  }
0x9b: {  	s22 =	simm.s32 $0x1BFF;
	s21 =	sshll.u32 s6, $0x1;
	s3 =	sadd.s32 s4, s19  }
0x9c: {  	s7 =	simm.s32 $0x0;
	s20 =	sshll.u32 s5, $0x1;
	s5 =	sadd.s32 s21, s3  }
0x9d: {  	[timem:s7], [sflag:s22] =	dma.local [hbm:s5], s20  }
0x9e: {  	_ =	swait.ge [sflag:s22], s20  }
0x9f: {  	s4 =	ssub.s32 $0x0, s20;
	[sflag:s22] =	ssyncset.done $0x0  }
0xa0: {  	[sflag:s22] =	ssyncadd.s32 s4;
	_ =	sdelay $0x1  }
0xa1: {  	s23 =	simm.s32 $0x1B8B  }
0xa2: {  	_ =	swait.ge [sflag:s23], $0x1  }
0xa3: {  	[sflag:s23] =	ssyncset.done $0x0  }
0xa4: {  	s25 =	simm.s32 $0x1B8E;
	s24 =	sld [smem:$0x3FFE];
	[sflag:s23] =	ssyncadd.s32 $0xFFFFFFFF  }
0xa5: {  	s26 =	simm.s32 $execute0_lowered;
	[smem:$0x3FD2] =	sst s25  }
0xa6: {  	s5 =	sshll.u32 s26, $0x1;
	_ =	strace $0x80000046;
	[dreg:$0x1] =	wrdreg $0xFFFFFFFF  }
0xa7: {  	s28 =	simm.s32 $_size_execute0_lowered;
	s3 =	sadd.s32 s3, s5;
	[dreg:$0x0] =	wrdreg $0x0  }
0xa8: {  	s5 =	sshll.u32 s28, $0x1;
	[dreg:$0x2] =	wrdreg s3  }
0xa9: {  	[dreg:$0x3] =	wrdreg s5  }
0xaa: {  	[dreg:$0x4] =	wrdreg $0xC0  }
0xab: {  	_ =	task [dreg:s7], $0x5FFFF  }
0xac: {  	[dreg:$0x1] =	wrdreg $0xFFFFFFFF  }
0xad: {  	[dreg:$0x0] =	wrdreg $0x60  }
0xae: {  	[dreg:$0x2] =	wrdreg s24  }
0xaf: {  	[dreg:$0x3] =	wrdreg s2  }
0xb0: {  	[dreg:$0x4] =	wrdreg $0x9  }
0xb1: {  	_ =	task.clear_ibuf [dreg:s7], $0x5FFFF;
	_ =	strace $0x90000046  }
0xb2: {  	s29 =	simm.s32 $0x9;
	_ =	strace $0x80000048  }
0xb3: {  	_ =	swait.ge [sflag:s29], $0x1  }
0xb4: {  	[sflag:s29] =	ssyncadd.s32 $0xFFFFFFFF  }
0xb5: {  	_ =	strace $0x90000048  }
0xb6: {  	_ =	sfence  }
0xb7: {  	s30 =	sld [smem:$0x0];
	_ =	sdelay $0x2  }
0xb8: {  	s31 =	sshll.u32 s1, $0xD;
	s1 =	sshrl.u32 s1, $0x2  }
0xb9: {  	s3 =	sand.u32 $0x4000, s31;
	s1 =	sadd.s32 s1, s30  }
0xba: {  	s0 =	sor.u32 s3, s0;
	s1 =	sshll.u32 s1, $0x11  }
0xbb: {  	s0 =	sor.u32 s1, s0  }
0xbc: {  	s0 =	sadd.s32 $0x8F2B, s0  }
0xbd: {  	[sflag:s0] =	ssyncadd.remote.s32 $0x1  }
0xbe: {  	_ =	sfence.sel $0xFFFF  }
0xbf: {  	[dreg:$0x0] =	wrdreg $0xFFFFFFFF;
	(pc) =	sbr.abs _section_cstart, $3  }
0xc0: {  	[dreg:$0x1] =	wrdreg $0xFFFFFFFF  }
0xc1: {  	_ =	task.clear_ibuf [dreg:s7], $0x2FFFF;
	_ =	strace $0x9FFFFFFF  }
0xc2: {  	(tm) =	ssettm $0x7FFFFFFF  }
0xc3: {  	_ =	shalt  }
tec
execute0_lowered:
.L_overlay_start_1:
0x0: {  	(tag) =	ssettag $0x1  }
0x1: {  	s0 =	rddreg [dreg:$0x0]  }
0x2: {  	s2 =	rddreg [dreg:$0x1];
	s4 =	srdreg.scid;
	s3 =	simm.s32 $0x0  }
0x3: {  	s1 =	stileid.u32;
	[smem:$0x7FF] =	sst s3;
	s7 =	sadd.s32 $0x2E00, s0  }
0x4: {  	s12 =	simm.s32 $0x4980;
	_ =	strace $0x80000047;
	[dreg:$0x3] =	wrdreg s7  }
0x5: {  	s13 =	simm.s32 $0x5180;
	s14 =	simm.s32 $0x5980;
	[dreg:$0x9] =	wrdreg s12  }
0x6: {  	s15 =	simm.s32 $0x6180;
	s16 =	simm.s32 $0x6980;
	[dreg:$0xa] =	wrdreg s13  }
0x7: {  	s18 =	simm.s32 $0x7180;
	s19 =	simm.s32 $0x7980;
	[dreg:$0xb] =	wrdreg s14  }
0x8: {  	s21 =	simm.s32 $0x8180;
	s22 =	simm.s32 $0x8980;
	[dreg:$0xc] =	wrdreg s15  }
0x9: {  	s23 =	simm.s32 $0x9180;
	s24 =	simm.s32 $0x9980;
	[dreg:$0xd] =	wrdreg s16  }
0xa: {  	s25 =	simm.s32 $0xA180;
	s28 =	simm.s32 $0x13180;
	[dreg:$0xe] =	wrdreg s18  }
0xb: {  	s29 =	simm.s32 $0x13980;
	s30 =	simm.s32 $0x1;
	[dreg:$0xf] =	wrdreg s19  }
0xc: {  	s31 =	simm.s32 $0x2;
	s4 =	sand.u32 $0x1, s4;
	[dreg:$0x10] =	wrdreg s21  }
0xd: {  	s5 =	sshll.u32 s1, $0x8;
	s26 =	sadd.s32 $0x2C00, s0;
	[dreg:$0x11] =	wrdreg s22  }
0xe: {  	s10 =	sadd.s32 $0x22E00, s0;
	s6 =	sshll.u32 s4, $0x7;
	[dreg:$0x12] =	wrdreg s23  }
0xf: {  	s4 =	ssub.s32 $0x2, s4;
	s7 =	simm.s32 $0x4;
	[dreg:$0x13] =	wrdreg s24  }
0x10: {  	[dreg:$0x14] =	wrdreg s25;
	s12 =	simm.s32 $0xB980;
	s13 =	simm.s32 $0xC180  }
0x11: {  	s14 =	simm.s32 $0xC980;
	s15 =	simm.s32 $0xD180;
	s16 =	simm.s32 $0xD980  }
0x12: {  	s18 =	simm.s32 $0xE980;
	s19 =	simm.s32 $0xF180;
	s21 =	simm.s32 $0x10180  }
0x13: {  	s22 =	simm.s32 $0x10980;
	s23 =	simm.s32 $0x11180;
	s24 =	simm.s32 $0x11980  }
0x14: {  	s25 =	simm.s32 $0x12180;
	s5 =	sor.u32 s6, s5;
	s17 =	sshrl.u32 s4, $0x1  }
0x15: {  	s6 =	sor.u32 $0x40, s5;
	s8 =	sshll.u32 s5, $0x4;
	s11 =	sshll.u32 s5, $0x6  }
0x16: {  	s20 =	sshrl.u32 s5, $0x3;
	s5 =	sadd.s32 $0x100, s2;
	s1 =	sadd.s32 s10, s11  }
0x17: {  	s9 =	sshrl.u32 s6, $0x3;
	s11 =	simm.s32 $0x100;
	[dreg:$0x5] =	wrdreg s1  }
0x18: {  	s6 =	sshll.u32 s6, $0x6;
	s9 =	sadd.s32 s26, s9;
	[dreg:$0x8] =	wrdreg s11  }
0x19: {  	s0 =	sadd.s32 s8, s0;
	s6 =	sadd.s32 s10, s6;
	[dreg:$0x4] =	wrdreg s9  }
0x1a: {  	s8 =	simm.s32 $0x80;
	s0 =	sadd.s32 $0x62E00, s0;
	[dreg:$0x6] =	wrdreg s6  }
0x1b: {  	s10 =	simm.s32 $0x4180;
	[dreg:$0x7] =	wrdreg s0;
	s6 =	ssub.s32 s4, s17  }
0x1c: {  	v2 =	vlaneseq.u32;
	s4 =	sadd.s32 s26, s20;
	s26 =	simm.s32 $0xA980;
	s9 =	simm.s32 $0x180  }
0x1d: {  	vm0 =	vmmov $0xffff;
	v1 =	vshrl.u32 v2, $0x3;
	s17 =	simm.s32 $0xE180;
	s20 =	simm.s32 $0xF980;
	s0 =	simm.s32 $0x3  }
0x1e: {  	v0 =	vand.u32 $0x7, v2;
	v2 =	vor.u32 $0x8, v2;
	v1 =	vmul.u32 $0x8, v1;
	s6 =	smax.u32 s6, $0x1;
	[dreg:$0x15] =	wrdreg s26;
	s26 =	simm.s32 $0x12980  }
.LBB2_1:
0x1f: {  	[tilespmem:s3], [sflag:$0x4] =	stream.linear.gather [hbm4b:s4+s3], $0x80, $0x38;
	[tilespmem:$0x14180] =	vst v63  }
0x20: {  	_ =	swait.ge [sflag:s7], $0x80  }
0x21: {  	[sflag:s7] =	ssyncset.done $0x0  }
0x22: {  	[sflag:s7] =	ssyncadd.s32 $0xFFFFFF80  }
0x23: {  	[tilespmem:s8], [sflag:$0x4] =	stream.linear.gather [hbm4b:s4+s3], $0x40, $0x38;
	[tilespmem:$0x14180] =	vst v63  }
0x24: {  	_ =	swait.ge [sflag:s7], $0x40  }
0x25: {  	s1 =	rddreg [dreg:$0x4];
	[sflag:s7] =	ssyncset.done $0x0  }
0x26: {  	s11 =	rddreg [dreg:$0x8];
	[sflag:s7] =	ssyncadd.s32 $0xFFFFFFC0  }
0x27: {  	[tilespmem:s11], [sflag:$0x4] =	stream.linear.gather [hbm4b:s1+s3], $0x40, $0x38;
	[tilespmem:$0x14180] =	vst v63  }
0x28: {  	_ =	swait.ge [sflag:s7], $0x40  }
0x29: {  	[sflag:s7] =	ssyncset.done $0x0  }
0x2a: {  	s11 =	rddreg [dreg:$0x3];
	[sflag:s7] =	ssyncadd.s32 $0xFFFFFFC0  }
0x2b: {  	[tilespmem:s9], [sflag:$0x3] =	stream.indirect.gather [hbm4b:s11+s8], $0x80, s3, s8, $0xb8;
	[tilespmem:$0x14180] =	vst v63  }
0x2c: {  	v3 =	vld [tilespmem:$0x80];
	_ =	sdelay $0x4  }
0x2d: {  	v4 =	vshll.u32 v3, $0x2  }
0x2e: {  	v3 =	vand.u32 $0x7, v3;
	v4 =	vand.u32 $0xFFFFFFE0, v4  }
0x2f: {  	v3 =	vor.u32 v3, v4  }
0x30: {  	v4 =	vperm.xlane v3, v0;
	_ =	sdelay $0x1  }
0x31: {  	v4 =	vadd.s32 v1, v4;
	_ =	sdelay $0x1  }
0x32: {  	v3 =	vperm.xlane v3, v2;
	_ =	sdelay $0x1  }
0x33: {  	v3 =	vadd.s32 v1, v3  }
0x34: {  	[tilespmem:s10], [sflag:$0x1] =	stream.indirect_vreg.gather [hbm4b:s2+s3], $0x80, v4, vm0, $0xb8;
	[tilespmem:$0x14180] =	vst v63  }
0x35: {  	s1 =	rddreg [dreg:$0x9]  }
0x36: {  	[tilespmem:s1], [sflag:$0x1] =	stream.indirect_vreg.gather [hbm4b:s5+s3], $0x80, v4, vm0, $0xb8;
	[tilespmem:$0x14180] =	vst v63  }
0x37: {  	s11 =	rddreg [dreg:$0xa]  }
0x38: {  	[tilespmem:s11], [sflag:$0x1] =	stream.indirect_vreg.gather [hbm4b:s2+s3], $0x80, v3, vm0, $0xb8;
	[tilespmem:$0x14180] =	vst v63  }
0x39: {  	s1 =	rddreg [dreg:$0xb]  }
0x3a: {  	[tilespmem:s1], [sflag:$0x1] =	stream.indirect_vreg.gather [hbm4b:s5+s3], $0x80, v3, vm0, $0xb8;
	[tilespmem:$0x14180] =	vst v63  }
0x3b: {  	v3 =	vld [tilespmem:$0x90];
	_ =	sdelay $0x4  }
0x3c: {  	v57 =	vshll.u32 v3, $0x2  }
0x3d: {  	v3 =	vand.u32 $0x7, v3;
	v4 =	vand.u32 $0xFFFFFFE0, v57  }
0x3e: {  	v3 =	vor.u32 v3, v4  }
0x3f: {  	v4 =	vperm.xlane v3, v0;
	_ =	sdelay $0x1  }
0x40: {  	v4 =	vadd.s32 v1, v4;
	_ =	sdelay $0x1  }
0x41: {  	v3 =	vperm.xlane v3, v2;
	_ =	sdelay $0x1  }
0x42: {  	s1 =	rddreg [dreg:$0xc];
	v3 =	vadd.s32 v1, v3  }
0x43: {  	[tilespmem:s1], [sflag:$0x1] =	stream.indirect_vreg.gather [hbm4b:s2+s3], $0x80, v4, vm0, $0xb8;
	[tilespmem:$0x14180] =	vst v63  }
0x44: {  	s11 =	rddreg [dreg:$0xd]  }
0x45: {  	[tilespmem:s11], [sflag:$0x1] =	stream.indirect_vreg.gather [hbm4b:s5+s3], $0x80, v4, vm0, $0xb8;
	[tilespmem:$0x14180] =	vst v63  }
0x46: {  	s1 =	rddreg [dreg:$0xe]  }
0x47: {  	[tilespmem:s1], [sflag:$0x1] =	stream.indirect_vreg.gather [hbm4b:s2+s3], $0x80, v3, vm0, $0xb8;
	[tilespmem:$0x14180] =	vst v63  }
0x48: {  	s11 =	rddreg [dreg:$0xf]  }
0x49: {  	[tilespmem:s11], [sflag:$0x1] =	stream.indirect_vreg.gather [hbm4b:s5+s3], $0x80, v3, vm0, $0xb8;
	[tilespmem:$0x14180] =	vst v63  }
0x4a: {  	v3 =	vld [tilespmem:$0xA0];
	_ =	sdelay $0x4  }
0x4b: {  	v58 =	vshll.u32 v3, $0x2  }
0x4c: {  	v3 =	vand.u32 $0x7, v3;
	v4 =	vand.u32 $0xFFFFFFE0, v58  }
0x4d: {  	v3 =	vor.u32 v3, v4  }
0x4e: {  	v4 =	vperm.xlane v3, v0;
	_ =	sdelay $0x1  }
0x4f: {  	v4 =	vadd.s32 v1, v4;
	_ =	sdelay $0x1  }
0x50: {  	v3 =	vperm.xlane v3, v2;
	_ =	sdelay $0x1  }
0x51: {  	s1 =	rddreg [dreg:$0x10];
	v3 =	vadd.s32 v1, v3  }
0x52: {  	[tilespmem:s1], [sflag:$0x1] =	stream.indirect_vreg.gather [hbm4b:s2+s3], $0x80, v4, vm0, $0xb8;
	[tilespmem:$0x14180] =	vst v63  }
0x53: {  	s11 =	rddreg [dreg:$0x11]  }
0x54: {  	[tilespmem:s11], [sflag:$0x1] =	stream.indirect_vreg.gather [hbm4b:s5+s3], $0x80, v4, vm0, $0xb8;
	[tilespmem:$0x14180] =	vst v63  }
0x55: {  	s1 =	rddreg [dreg:$0x12]  }
0x56: {  	[tilespmem:s1], [sflag:$0x1] =	stream.indirect_vreg.gather [hbm4b:s2+s3], $0x80, v3, vm0, $0xb8;
	[tilespmem:$0x14180] =	vst v63  }
0x57: {  	s11 =	rddreg [dreg:$0x13]  }
0x58: {  	[tilespmem:s11], [sflag:$0x1] =	stream.indirect_vreg.gather [hbm4b:s5+s3], $0x80, v3, vm0, $0xb8;
	[tilespmem:$0x14180] =	vst v63  }
0x59: {  	v3 =	vld [tilespmem:$0xB0];
	_ =	sdelay $0x4  }
0x5a: {  	v59 =	vshll.u32 v3, $0x2  }
0x5b: {  	v3 =	vand.u32 $0x7, v3;
	v4 =	vand.u32 $0xFFFFFFE0, v59  }
0x5c: {  	v3 =	vor.u32 v3, v4  }
0x5d: {  	v4 =	vperm.xlane v3, v0;
	_ =	sdelay $0x1  }
0x5e: {  	v4 =	vadd.s32 v1, v4;
	_ =	sdelay $0x1  }
0x5f: {  	v3 =	vperm.xlane v3, v2;
	_ =	sdelay $0x1  }
0x60: {  	s1 =	rddreg [dreg:$0x14];
	v3 =	vadd.s32 v1, v3  }
0x61: {  	[tilespmem:s1], [sflag:$0x1] =	stream.indirect_vreg.gather [hbm4b:s2+s3], $0x80, v4, vm0, $0xb8;
	[tilespmem:$0x14180] =	vst v63  }
0x62: {  	s11 =	rddreg [dreg:$0x15]  }
0x63: {  	[tilespmem:s11], [sflag:$0x1] =	stream.indirect_vreg.gather [hbm4b:s5+s3], $0x80, v4, vm0, $0xb8;
	[tilespmem:$0x14180] =	vst v63  }
0x64: {  	s11 =	simm.s32 $0xB180  }
0x65: {  	[tilespmem:s11], [sflag:$0x1] =	stream.indirect_vreg.gather [hbm4b:s2+s3], $0x80, v3, vm0, $0xb8;
	[tilespmem:$0x14180] =	vst v63  }
0x66: {  	_ = 	snop  }
0x67: {  	[tilespmem:s12], [sflag:$0x1] =	stream.indirect_vreg.gather [hbm4b:s5+s3], $0x80, v3, vm0, $0xb8;
	[tilespmem:$0x14180] =	vst v63  }
0x68: {  	v3 =	vld [tilespmem:$0x100];
	_ =	sdelay $0x4  }
0x69: {  	v60 =	vshll.u32 v3, $0x2  }
0x6a: {  	v3 =	vand.u32 $0x7, v3;
	v4 =	vand.u32 $0xFFFFFFE0, v60  }
0x6b: {  	v3 =	vor.u32 v3, v4  }
0x6c: {  	v4 =	vperm.xlane v3, v0;
	_ =	sdelay $0x1  }
0x6d: {  	v4 =	vadd.s32 v1, v4;
	_ =	sdelay $0x1  }
0x6e: {  	v3 =	vperm.xlane v3, v2;
	_ =	sdelay $0x1  }
0x6f: {  	v3 =	vadd.s32 v1, v3  }
0x70: {  	[tilespmem:s13], [sflag:$0x2] =	stream.indirect_vreg.gather [hbm4b:s2+s3], $0x80, v4, vm0, $0xb8;
	[tilespmem:$0x14180] =	vst v63  }
0x71: {  	_ = 	snop  }
0x72: {  	[tilespmem:s14], [sflag:$0x2] =	stream.indirect_vreg.gather [hbm4b:s5+s3], $0x80, v4, vm0, $0xb8;
	[tilespmem:$0x14180] =	vst v63  }
0x73: {  	_ = 	snop  }
0x74: {  	[tilespmem:s15], [sflag:$0x2] =	stream.indirect_vreg.gather [hbm4b:s2+s3], $0x80, v3, vm0, $0xb8;
	[tilespmem:$0x14180] =	vst v63  }
0x75: {  	_ = 	snop  }
0x76: {  	[tilespmem:s16], [sflag:$0x2] =	stream.indirect_vreg.gather [hbm4b:s5+s3], $0x80, v3, vm0, $0xb8;
	[tilespmem:$0x14180] =	vst v63  }
0x77: {  	v3 =	vld [tilespmem:$0x110];
	_ =	sdelay $0x4  }
0x78: {  	v61 =	vshll.u32 v3, $0x2  }
0x79: {  	v3 =	vand.u32 $0x7, v3;
	v4 =	vand.u32 $0xFFFFFFE0, v61  }
0x7a: {  	v3 =	vor.u32 v3, v4  }
0x7b: {  	v4 =	vperm.xlane v3, v0;
	_ =	sdelay $0x1  }
0x7c: {  	v4 =	vadd.s32 v1, v4;
	_ =	sdelay $0x1  }
0x7d: {  	v3 =	vperm.xlane v3, v2;
	_ =	sdelay $0x1  }
0x7e: {  	v3 =	vadd.s32 v1, v3  }
0x7f: {  	[tilespmem:s17], [sflag:$0x2] =	stream.indirect_vreg.gather [hbm4b:s2+s3], $0x80, v4, vm0, $0xb8;
	[tilespmem:$0x14180] =	vst v63  }
0x80: {  	_ = 	snop  }
0x81: {  	[tilespmem:s18], [sflag:$0x2] =	stream.indirect_vreg.gather [hbm4b:s5+s3], $0x80, v4, vm0, $0xb8;
	[tilespmem:$0x14180] =	vst v63  }
0x82: {  	_ = 	snop  }
0x83: {  	[tilespmem:s19], [sflag:$0x2] =	stream.indirect_vreg.gather [hbm4b:s2+s3], $0x80, v3, vm0, $0xb8;
	[tilespmem:$0x14180] =	vst v63  }
0x84: {  	_ = 	snop  }
0x85: {  	[tilespmem:s20], [sflag:$0x2] =	stream.indirect_vreg.gather [hbm4b:s5+s3], $0x80, v3, vm0, $0xb8;
	[tilespmem:$0x14180] =	vst v63  }
0x86: {  	v3 =	vld [tilespmem:$0x120];
	_ =	sdelay $0x4  }
0x87: {  	v62 =	vshll.u32 v3, $0x2  }
0x88: {  	v3 =	vand.u32 $0x7, v3;
	v4 =	vand.u32 $0xFFFFFFE0, v62  }
0x89: {  	v3 =	vor.u32 v3, v4  }
0x8a: {  	v4 =	vperm.xlane v3, v0;
	_ =	sdelay $0x1  }
0x8b: {  	v4 =	vadd.s32 v1, v4;
	_ =	sdelay $0x1  }
0x8c: {  	v3 =	vperm.xlane v3, v2;
	_ =	sdelay $0x1  }
0x8d: {  	v3 =	vadd.s32 v1, v3  }
0x8e: {  	[tilespmem:s21], [sflag:$0x2] =	stream.indirect_vreg.gather [hbm4b:s2+s3], $0x80, v4, vm0, $0xb8;
	[tilespmem:$0x14180] =	vst v63  }
0x8f: {  	_ = 	snop  }
0x90: {  	[tilespmem:s22], [sflag:$0x2] =	stream.indirect_vreg.gather [hbm4b:s5+s3], $0x80, v4, vm0, $0xb8;
	[tilespmem:$0x14180] =	vst v63  }
0x91: {  	_ = 	snop  }
0x92: {  	[tilespmem:s23], [sflag:$0x2] =	stream.indirect_vreg.gather [hbm4b:s2+s3], $0x80, v3, vm0, $0xb8;
	[tilespmem:$0x14180] =	vst v63  }
0x93: {  	_ = 	snop  }
0x94: {  	[tilespmem:s24], [sflag:$0x2] =	stream.indirect_vreg.gather [hbm4b:s5+s3], $0x80, v3, vm0, $0xb8;
	[tilespmem:$0x14180] =	vst v63  }
0x95: {  	v3 =	vld [tilespmem:$0x130];
	_ =	sdelay $0x4  }
0x96: {  	v63 =	vshll.u32 v3, $0x2  }
0x97: {  	v3 =	vand.u32 $0x7, v3;
	v4 =	vand.u32 $0xFFFFFFE0, v63  }
0x98: {  	v3 =	vor.u32 v3, v4  }
0x99: {  	v4 =	vperm.xlane v3, v0;
	_ =	sdelay $0x1  }
0x9a: {  	v4 =	vadd.s32 v1, v4;
	_ =	sdelay $0x1  }
0x9b: {  	v3 =	vperm.xlane v3, v2;
	_ =	sdelay $0x1  }
0x9c: {  	v3 =	vadd.s32 v1, v3  }
0x9d: {  	[tilespmem:s25], [sflag:$0x2] =	stream.indirect_vreg.gather [hbm4b:s2+s3], $0x80, v4, vm0, $0xb8;
	[tilespmem:$0x14180] =	vst v63  }
0x9e: {  	_ = 	snop  }
0x9f: {  	[tilespmem:s26], [sflag:$0x2] =	stream.indirect_vreg.gather [hbm4b:s5+s3], $0x80, v4, vm0, $0xb8;
	[tilespmem:$0x14180] =	vst v63  }
0xa0: {  	_ = 	snop  }
0xa1: {  	[tilespmem:s28], [sflag:$0x2] =	stream.indirect_vreg.gather [hbm4b:s2+s3], $0x80, v3, vm0, $0xb8;
	[tilespmem:$0x14180] =	vst v63  }
0xa2: {  	_ = 	snop  }
0xa3: {  	[tilespmem:s29], [sflag:$0x2] =	stream.indirect_vreg.gather [hbm4b:s5+s3], $0x80, v3, vm0, $0xb8;
	[tilespmem:$0x14180] =	vst v63  }
0xa4: {  	_ =	swait.ge [sflag:s30], $0x8000  }
0xa5: {  	[sflag:s30] =	ssyncset.done $0x0  }
0xa6: {  	s11 =	rddreg [dreg:$0x5];
	[sflag:s30] =	ssyncadd.s32 $0xFFFF8000  }
0xa7: {  	[hbm4b:s11+s3] =	stream.linear.scatter [tilespmem:s10], [sflag:$0x4], $0x8000, $0x38;
	[tilespmem:$0x14180] =	vst v63  }
0xa8: {  	_ =	swait.ge [sflag:s7], $0x8000  }
0xa9: {  	[sflag:s7] =	ssyncset.done $0x0  }
0xaa: {  	[sflag:s7] =	ssyncadd.s32 $0xFFFF8000  }
0xab: {  	_ =	swait.ge [sflag:s31], $0x8000  }
0xac: {  	[sflag:s31] =	ssyncset.done $0x0  }
0xad: {  	s11 =	rddreg [dreg:$0x6];
	[sflag:s31] =	ssyncadd.s32 $0xFFFF8000  }
0xae: {  	[hbm4b:s11+s3] =	stream.linear.scatter [tilespmem:s13], [sflag:$0x4], $0x8000, $0x38;
	[tilespmem:$0x14180] =	vst v63  }
0xaf: {  	_ =	swait.ge [sflag:s7], $0x8000  }
0xb0: {  	[sflag:s7] =	ssyncset.done $0x0  }
0xb1: {  	[sflag:s7] =	ssyncadd.s32 $0xFFFF8000  }
0xb2: {  	_ =	swait.ge [sflag:s0], $0x4000  }
0xb3: {  	p0 =	sne.s32 s6, $0x1;
	[sflag:s0] =	ssyncset.done $0x0  }
.Ltmp0:
0xb4: {  	s11 =	rddreg [dreg:$0x7];
	[sflag:s0] =	ssyncadd.s32 $0xFFFFC000;
	(pc) =	sbr.rel @p0 .LBB2_1-.Ltmp0, $4  }
0xb5: {  	[hbm4b:s11+s3] =	stream.linear.scatter [tilespmem:s9], [sflag:$0x4], $0x4000, $0x38;
	[tilespmem:$0x14180] =	vst v63  }
0xb6: {  	_ =	swait.ge [sflag:s7], $0x4000  }
0xb7: {  	[sflag:s7] =	ssyncset.done $0x0  }
0xb8: {  	s6 =	sadd.s32 $0xFFFFFFFF, s6;
	[sflag:s7] =	ssyncadd.s32 $0xFFFFC000  }
0xb9: {  	_ =	sfence.sel $0x180000  }
0xba: {  	[bflag:$0x0] =	sbarrier.arrive $0xFFFF  }
0xbb: {  	_ =	strace $0x90000047  }
0xbc: {  	s0 =	stileid.u32;
	[bflag:$0x2] =	sbarrier.arrive $0xFFFF  }
0xbd: {  	p0 =	sne.s32 s0, $0x0;
	s0 =	rddreg [dreg:$0x2]  }
0xbe: {  	s0 =	sadd.s32 @!p0 $0x100000, s0  }
0xbf: {  	[sflag:s0] =	ssyncadd.tile.s32 @!p0 $0x1;
	_ =	shalt  }
.Lfunc_end2:
_tile_overlayer_lowered:
.L_overlay_start_2:
0xc0: {  	(tag) =	ssettag $0x2  }
0xc1: {  	s0 =	rddreg [dreg:$0x0];
	s2 =	stileid.u32  }
0xc2: {  	s1 =	rddreg [dreg:$0x1];
	p0 =	sne.s32 s2, $0x0  }
0xc3: {  	s3 =	rddreg [dreg:$0x2];
	[bflag:$0x3] =	sbarrier.arrive $0xFFFF;
	s2 =	simm.s32 @!p0 $0x1C04  }
0xc4: {  	[timem:s3], [sflag:s2] =	dma.local @!p0 [hbm:s0], s1  }
0xc5: {  	s0 =	simm.s32 @!p0 $0x4  }
0xc6: {  	_ =	swait.ge @!p0 [sflag:s0], s1  }
0xc7: {  	s1 =	ssub.s32 @!p0 $0x0, s1;
	[sflag:s0] =	ssyncset.done @!p0 $0x0  }
0xc8: {  	[sflag:s0] =	ssyncadd.s32 @!p0 s1  }
0xc9: {  	[bflag:$0x3] =	sbarrier.arrive $0xFFFF  }
0xca: {  	_ =	shalt  }

</sc_bundles>
